<compile_context>
chip_gen: v7x
topology: tpu7x:2x2x1
jax: 0.10.2.dev20260603
libtpu: 0.0.44.dev20260713+nightly
codegen_flags: <defaults>
</compile_context>

<pallas_src>
import jax
import jax.numpy as jnp
from jax import lax
from jax.experimental import pallas as pl
from jax.experimental.pallas import tpu as pltpu
from jax.experimental.pallas import tpu_sc as plsc

BATCH = 16384
DIM = 32
NUM_WORKERS = 32
B_PER_W = BATCH // NUM_WORKERS
N_PHASES = 2
PHASE = B_PER_W // N_PHASES
GROUPS = PHASE // 16


def _pda_body(uidx_hbm, iidx_hbm, utab_hbm, itab_hbm, out_hbm,
              idx_uv, idx_iv, rows_u, rows_i, out_v, sem):
    wid = lax.axis_index("s") * 2 + lax.axis_index("c")
    base = wid * B_PER_W

    pltpu.sync_copy(uidx_hbm.at[pl.ds(base, B_PER_W)], idx_uv)
    pltpu.sync_copy(iidx_hbm.at[pl.ds(base, B_PER_W)], idx_iv)

    lane = lax.iota(jnp.int32, 16)

    def phase_step(p, _):
        pbase = p * PHASE

        def fire(v, _):
            uvec = idx_uv[pl.ds(pbase + v * 16, 16)]
            ivec = idx_iv[pl.ds(pbase + v * 16, 16)]
            for l in range(16):
                pltpu.async_copy(utab_hbm.at[uvec[l]],
                                 rows_u.at[v * 16 + l], sem)
                pltpu.async_copy(itab_hbm.at[ivec[l]],
                                 rows_i.at[v * 16 + l], sem)
            return _

        lax.fori_loop(0, PHASE // 16, fire, None)

        pltpu.make_async_copy(utab_hbm.at[pl.ds(0, PHASE)], rows_u, sem).wait()
        pltpu.make_async_copy(itab_hbm.at[pl.ds(0, PHASE)], rows_i, sem).wait()

        def group(g, _):
            row_vec = g * 16 + lane
            acc = None
            for d in range(DIM):
                dsplat = jnp.full((16,), d, jnp.int32)
                u = plsc.load_gather(rows_u, [row_vec, dsplat])
                v = plsc.load_gather(rows_i, [row_vec, dsplat])
                acc = u * v if acc is None else acc + u * v
            res = 1.0 / (1.0 + jnp.exp(-acc))
            out_v[pl.ds(pbase + g * 16, 16)] = res
            return _

        lax.fori_loop(0, GROUPS, group, None)
        return _

    lax.fori_loop(0, N_PHASES, phase_step, None)

    pltpu.sync_copy(out_v, out_hbm.at[pl.ds(base, B_PER_W)])


@jax.jit
def _pda(uidx, iidx, utab, itab):
    mesh = plsc.VectorSubcoreMesh(core_axis_name="c", subcore_axis_name="s")
    f = pl.kernel(
        _pda_body,
        mesh=mesh,
        compiler_params=pltpu.CompilerParams(
            needs_layout_passes=False, skip_device_barrier=True
        ),
        out_type=jax.ShapeDtypeStruct((BATCH,), jnp.float32),
        scratch_types=[
            pltpu.VMEM((B_PER_W,), jnp.int32),
            pltpu.VMEM((B_PER_W,), jnp.int32),
            pltpu.VMEM((PHASE, DIM), jnp.float32),
            pltpu.VMEM((PHASE, DIM), jnp.float32),
            pltpu.VMEM((B_PER_W,), jnp.float32),
            pltpu.SemaphoreType.DMA,
        ],
    )
    return f(uidx, iidx, utab, itab)


def kernel(userIdx, itemIdx, uEmbed, iEmbed):
    return _pda(userIdx.astype(jnp.int32), itemIdx.astype(jnp.int32),
                uEmbed, iEmbed)

# --- scband reference (transcript-rebuilt; emitter-appended) ---
"""Pipeline reference for scband-pda-40492951667228 (READ-ONLY COPY).

The authoritative reference and input builder live on the scoring server;
editing this copy changes nothing except your own understanding.
"""

import jax, jax.numpy as jnp
import numpy as np

USER_NUM = 1000000
ITEM_NUM = 1000000
DIM = 32
BATCH = 16384

def setup_inputs(seed: int = 0) -> dict:
    key = jax.random.key(seed)
    k1, k2, k3, k4 = jax.random.split(key, 4)
    userIdx = jax.random.randint(k1, (BATCH,), 0, USER_NUM, dtype=jnp.int64) if jax.config.jax_enable_x64 else jax.random.randint(k1, (BATCH,), 0, USER_NUM, dtype=jnp.int32)
    itemIdx = jax.random.randint(k2, (BATCH,), 0, ITEM_NUM, dtype=jnp.int64) if jax.config.jax_enable_x64 else jax.random.randint(k2, (BATCH,), 0, ITEM_NUM, dtype=jnp.int32)
    # learned parameters: embedding tables, init normal(std=0.01) as in nn.init.normal_
    uEmbed = jax.random.normal(k3, (USER_NUM, DIM), dtype=jnp.float32) * 0.01
    iEmbed = jax.random.normal(k4, (ITEM_NUM, DIM), dtype=jnp.float32) * 0.01
    return {"userIdx": userIdx, "itemIdx": itemIdx, "uEmbed": uEmbed, "iEmbed": iEmbed}

def reference(userIdx, itemIdx, uEmbed, iEmbed):
    # PDA.forward with task='ctr':
    #   uembed = self.uEmbed(userIdx); iembed = self.iEmbed(itemIdx)
    #   res = sigmoid(sum(uembed * iembed, dim=1)); return res.flatten()
    uembed = jnp.take(uEmbed, userIdx, axis=0)
    iembed = jnp.take(iEmbed, itemIdx, axis=0)
    res = jax.nn.sigmoid(jnp.sum(uembed * iembed, axis=1))
    return res.reshape(-1)

if __name__ == "__main__":
    import jax
    _d = setup_inputs()
    print(jax.jit(kernel)(*tuple(_d.values())))

</pallas_src>

<mosaic_0001>
#map = affine_map<(d0, d1) -> (0)>
#map1 = affine_map<(d0, d1) -> (0, 0)>
module attributes {stable_mosaic.version = 14 : i64} {
  func.func @_pda_body(%arg0: i32, %arg1: i32, %arg2: memref<16384xi32, #tpu.memory_space<hbm>>, %arg3: memref<16384xi32, #tpu.memory_space<hbm>>, %arg4: memref<1000000x32xf32, #tpu.memory_space<hbm>>, %arg5: memref<1000000x32xf32, #tpu.memory_space<hbm>>, %arg6: memref<16384xf32, #tpu.memory_space<hbm>>, %arg7: memref<512xi32, #tpu.memory_space<vmem>>, %arg8: memref<512xi32, #tpu.memory_space<vmem>>, %arg9: memref<256x32xf32, #tpu.memory_space<vmem>>, %arg10: memref<256x32xf32, #tpu.memory_space<vmem>>, %arg11: memref<512xf32, #tpu.memory_space<vmem>>, %arg12: memref<!tpu.dma_semaphore, #tpu.memory_space<semaphore_mem>>) attributes {dimension_semantics = [#tpu.dimension_semantics<core_parallel>, #tpu.dimension_semantics<subcore_parallel>], iteration_bounds = array<i64: 2, 16>, scalar_prefetch = 0 : i64, scratch_operands = 6 : i64, tpu.core_type = #tpu.core_type<sc_vector_subcore>, window_params = [{transform_indices = #map}, {transform_indices = #map}, {transform_indices = #map1}, {transform_indices = #map1}, {transform_indices = #map}]} {
    %mul3A = arith.constant 2 : i32
    %mul3A_0 = arith.muli %arg1, %mul3A : i32
    %add3A = arith.addi %mul3A_0, %arg0 : i32
    %mul3A_1 = arith.constant 512 : i32
    %mul3A_2 = arith.muli %add3A, %mul3A_1 : i32
    "tpu.region"() ({
      %run_scoped3A = tpu.sem_alloc : memref<!tpu.dma_semaphore, #tpu.memory_space<semaphore_mem>>
      %dma_start3A = tpu.memref_slice %arg2[%mul3A_2] : memref<16384xi32, #tpu.memory_space<hbm>> -> memref<512xi32, #tpu.memory_space<hbm>>
      %dma_start3A_7 = tpu.memref_slice %arg2[%mul3A_2] : memref<16384xi32, #tpu.memory_space<hbm>> -> memref<512xi32, #tpu.memory_space<hbm>>
      tpu.enqueue_dma source(%dma_start3A_7 : memref<512xi32, #tpu.memory_space<hbm>>) target(%arg7 : memref<512xi32, #tpu.memory_space<vmem>>) target_semaphore(%run_scoped3A : memref<!tpu.dma_semaphore, #tpu.memory_space<semaphore_mem>>)
      %dma_wait3A = tpu.memref_slice %arg2[%mul3A_2] : memref<16384xi32, #tpu.memory_space<hbm>> -> memref<512xi32, #tpu.memory_space<hbm>>
      %dma_wait3A_8 = tpu.memref_slice %arg2[%mul3A_2] : memref<16384xi32, #tpu.memory_space<hbm>> -> memref<512xi32, #tpu.memory_space<hbm>>
      tpu.wait_dma2 semaphore(%run_scoped3A : memref<!tpu.dma_semaphore, #tpu.memory_space<semaphore_mem>>) src(%dma_wait3A_8 : memref<512xi32, #tpu.memory_space<hbm>>) dst(%arg7 : memref<512xi32, #tpu.memory_space<vmem>>)
      tpu.yield
    }) : () -> ()
    "tpu.region"() ({
      %run_scoped3A = tpu.sem_alloc : memref<!tpu.dma_semaphore, #tpu.memory_space<semaphore_mem>>
      %dma_start3A = tpu.memref_slice %arg3[%mul3A_2] : memref<16384xi32, #tpu.memory_space<hbm>> -> memref<512xi32, #tpu.memory_space<hbm>>
      %dma_start3A_7 = tpu.memref_slice %arg3[%mul3A_2] : memref<16384xi32, #tpu.memory_space<hbm>> -> memref<512xi32, #tpu.memory_space<hbm>>
      tpu.enqueue_dma source(%dma_start3A_7 : memref<512xi32, #tpu.memory_space<hbm>>) target(%arg8 : memref<512xi32, #tpu.memory_space<vmem>>) target_semaphore(%run_scoped3A : memref<!tpu.dma_semaphore, #tpu.memory_space<semaphore_mem>>)
      %dma_wait3A = tpu.memref_slice %arg3[%mul3A_2] : memref<16384xi32, #tpu.memory_space<hbm>> -> memref<512xi32, #tpu.memory_space<hbm>>
      %dma_wait3A_8 = tpu.memref_slice %arg3[%mul3A_2] : memref<16384xi32, #tpu.memory_space<hbm>> -> memref<512xi32, #tpu.memory_space<hbm>>
      tpu.wait_dma2 semaphore(%run_scoped3A : memref<!tpu.dma_semaphore, #tpu.memory_space<semaphore_mem>>) src(%dma_wait3A_8 : memref<512xi32, #tpu.memory_space<hbm>>) dst(%arg8 : memref<512xi32, #tpu.memory_space<vmem>>)
      tpu.yield
    }) : () -> ()
    %iota3A = tpu.iota {dimensions = array<i32: 0>} : vector<16xi32>
    %scan3A = arith.constant 0 : i32
    %scan3A_3 = arith.constant 2 : i32
    %scan3A_4 = arith.addi %scan3A, %scan3A_3 : i32
    %scan3A_5 = arith.constant 1 : i32
    scf.for %scan3A_7 = %scan3A to %scan3A_4 step %scan3A_5  : i32 {
      %mul3A_8 = arith.constant 256 : i32
      %mul3A_9 = arith.muli %scan3A_7, %mul3A_8 : i32
      %scan3A_10 = arith.constant 0 : i32
      %scan3A_11 = arith.constant 16 : i32
      %scan3A_12 = arith.addi %scan3A_10, %scan3A_11 : i32
      %scan3A_13 = arith.constant 1 : i32
      scf.for %scan3A_31 = %scan3A_10 to %scan3A_12 step %scan3A_13  : i32 {
        %mul3A_32 = arith.constant 16 : i32
        %mul3A_33 = arith.muli %scan3A_31, %mul3A_32 : i32
        %add3A_34 = arith.addi %mul3A_9, %mul3A_33 : i32
        %get3A = arith.index_cast %add3A_34 : i32 to index
        %get3A_35 = tpu.vector_load %arg7[%get3A] {strides = array<i32>} : memref<512xi32, #tpu.memory_space<vmem>>, vector<16xi32>,
        %mul3A_36 = arith.constant 16 : i32
        %mul3A_37 = arith.muli %scan3A_31, %mul3A_36 : i32
        %add3A_38 = arith.addi %mul3A_9, %mul3A_37 : i32
        %get3A_39 = arith.index_cast %add3A_38 : i32 to index
        %get3A_40 = tpu.vector_load %arg8[%get3A_39] {strides = array<i32>} : memref<512xi32, #tpu.memory_space<vmem>>, vector<16xi32>,
        %slice3A = vector.extract_strided_slice %get3A_35 {offsets = [0], sizes = [1], strides = [1]} : vector<16xi32> to vector<1xi32>
        %squeeze3A = vector.extract %slice3A[0] : i32 from vector<1xi32>
        %mul3A_41 = arith.constant 16 : i32
        %mul3A_42 = arith.muli %scan3A_31, %mul3A_41 : i32
        %add3A_43 = arith.constant 0 : i32
        %add3A_44 = arith.addi %mul3A_42, %add3A_43 : i32
        %dma_start3A = arith.constant 0 : i32
        %dma_start3A_45 = tpu.memref_slice %arg9[%add3A_44, %dma_start3A] : memref<256x32xf32, #tpu.memory_space<vmem>> -> memref<1x32xf32, #tpu.memory_space<vmem>>
        %dma_start3A_46 = tpu.memref_squeeze %dma_start3A_45 : memref<1x32xf32, #tpu.memory_space<vmem>> -> memref<32xf32, #tpu.memory_space<vmem>>
        %dma_start3A_47 = arith.constant 0 : i32
        %dma_start3A_48 = tpu.memref_slice %arg4[%squeeze3A, %dma_start3A_47] : memref<1000000x32xf32, #tpu.memory_space<hbm>> -> memref<1x32xf32, #tpu.memory_space<hbm>>
        %dma_start3A_49 = tpu.memref_squeeze %dma_start3A_48 : memref<1x32xf32, #tpu.memory_space<hbm>> -> memref<32xf32, #tpu.memory_space<hbm>>
        %dma_start3A_50 = arith.constant 0 : i32
        %dma_start3A_51 = tpu.memref_slice %arg9[%add3A_44, %dma_start3A_50] : memref<256x32xf32, #tpu.memory_space<vmem>> -> memref<1x32xf32, #tpu.memory_space<vmem>>
        %dma_start3A_52 = tpu.memref_squeeze %dma_start3A_51 : memref<1x32xf32, #tpu.memory_space<vmem>> -> memref<32xf32, #tpu.memory_space<vmem>>
        %dma_start3A_53 = arith.constant 0 : i32
        %dma_start3A_54 = tpu.memref_slice %arg4[%squeeze3A, %dma_start3A_53] : memref<1000000x32xf32, #tpu.memory_space<hbm>> -> memref<1x32xf32, #tpu.memory_space<hbm>>
        %dma_start3A_55 = tpu.memref_squeeze %dma_start3A_54 : memref<1x32xf32, #tpu.memory_space<hbm>> -> memref<32xf32, #tpu.memory_space<hbm>>
        tpu.enqueue_dma source(%dma_start3A_55 : memref<32xf32, #tpu.memory_space<hbm>>) target(%dma_start3A_52 : memref<32xf32, #tpu.memory_space<vmem>>) target_semaphore(%arg12 : memref<!tpu.dma_semaphore, #tpu.memory_space<semaphore_mem>>)
        %slice3A_56 = vector.extract_strided_slice %get3A_40 {offsets = [0], sizes = [1], strides = [1]} : vector<16xi32> to vector<1xi32>
        %squeeze3A_57 = vector.extract %slice3A_56[0] : i32 from vector<1xi32>
        %mul3A_58 = arith.constant 16 : i32
        %mul3A_59 = arith.muli %scan3A_31, %mul3A_58 : i32
        %add3A_60 = arith.constant 0 : i32
        %add3A_61 = arith.addi %mul3A_59, %add3A_60 : i32
        %dma_start3A_62 = arith.constant 0 : i32
        %dma_start3A_63 = tpu.memref_slice %arg10[%add3A_61, %dma_start3A_62] : memref<256x32xf32, #tpu.memory_space<vmem>> -> memref<1x32xf32, #tpu.memory_space<vmem>>
        %dma_start3A_64 = tpu.memref_squeeze %dma_start3A_63 : memref<1x32xf32, #tpu.memory_space<vmem>> -> memref<32xf32, #tpu.memory_space<vmem>>
        %dma_start3A_65 = arith.constant 0 : i32
        %dma_start3A_66 = tpu.memref_slice %arg5[%squeeze3A_57, %dma_start3A_65] : memref<1000000x32xf32, #tpu.memory_space<hbm>> -> memref<1x32xf32, #tpu.memory_space<hbm>>
        %dma_start3A_67 = tpu.memref_squeeze %dma_start3A_66 : memref<1x32xf32, #tpu.memory_space<hbm>> -> memref<32xf32, #tpu.memory_space<hbm>>
        %dma_start3A_68 = arith.constant 0 : i32
        %dma_start3A_69 = tpu.memref_slice %arg10[%add3A_61, %dma_start3A_68] : memref<256x32xf32, #tpu.memory_space<vmem>> -> memref<1x32xf32, #tpu.memory_space<vmem>>
        %dma_start3A_70 = tpu.memref_squeeze %dma_start3A_69 : memref<1x32xf32, #tpu.memory_space<vmem>> -> memref<32xf32, #tpu.memory_space<vmem>>
        %dma_start3A_71 = arith.constant 0 : i32
        %dma_start3A_72 = tpu.memref_slice %arg5[%squeeze3A_57, %dma_start3A_71] : memref<1000000x32xf32, #tpu.memory_space<hbm>> -> memref<1x32xf32, #tpu.memory_space<hbm>>
        %dma_start3A_73 = tpu.memref_squeeze %dma_start3A_72 : memref<1x32xf32, #tpu.memory_space<hbm>> -> memref<32xf32, #tpu.memory_space<hbm>>
        tpu.enqueue_dma source(%dma_start3A_73 : memref<32xf32, #tpu.memory_space<hbm>>) target(%dma_start3A_70 : memref<32xf32, #tpu.memory_space<vmem>>) target_semaphore(%arg12 : memref<!tpu.dma_semaphore, #tpu.memory_space<semaphore_mem>>)
        %slice3A_74 = vector.extract_strided_slice %get3A_35 {offsets = [1], sizes = [1], strides = [1]} : vector<16xi32> to vector<1xi32>
        %squeeze3A_75 = vector.extract %slice3A_74[0] : i32 from vector<1xi32>
        %mul3A_76 = arith.constant 16 : i32
        %mul3A_77 = arith.muli %scan3A_31, %mul3A_76 : i32
        %add3A_78 = arith.constant 1 : i32
        %add3A_79 = arith.addi %mul3A_77, %add3A_78 : i32
        %dma_start3A_80 = arith.constant 0 : i32
        %dma_start3A_81 = tpu.memref_slice %arg9[%add3A_79, %dma_start3A_80] : memref<256x32xf32, #tpu.memory_space<vmem>> -> memref<1x32xf32, #tpu.memory_space<vmem>>
        %dma_start3A_82 = tpu.memref_squeeze %dma_start3A_81 : memref<1x32xf32, #tpu.memory_space<vmem>> -> memref<32xf32, #tpu.memory_space<vmem>>
        %dma_start3A_83 = arith.constant 0 : i32
        %dma_start3A_84 = tpu.memref_slice %arg4[%squeeze3A_75, %dma_start3A_83] : memref<1000000x32xf32, #tpu.memory_space<hbm>> -> memref<1x32xf32, #tpu.memory_space<hbm>>
        %dma_start3A_85 = tpu.memref_squeeze %dma_start3A_84 : memref<1x32xf32, #tpu.memory_space<hbm>> -> memref<32xf32, #tpu.memory_space<hbm>>
        %dma_start3A_86 = arith.constant 0 : i32
        %dma_start3A_87 = tpu.memref_slice %arg9[%add3A_79, %dma_start3A_86] : memref<256x32xf32, #tpu.memory_space<vmem>> -> memref<1x32xf32, #tpu.memory_space<vmem>>
        %dma_start3A_88 = tpu.memref_squeeze %dma_start3A_87 : memref<1x32xf32, #tpu.memory_space<vmem>> -> memref<32xf32, #tpu.memory_space<vmem>>
        %dma_start3A_89 = arith.constant 0 : i32
        %dma_start3A_90 = tpu.memref_slice %arg4[%squeeze3A_75, %dma_start3A_89] : memref<1000000x32xf32, #tpu.memory_space<hbm>> -> memref<1x32xf32, #tpu.memory_space<hbm>>
        %dma_start3A_91 = tpu.memref_squeeze %dma_start3A_90 : memref<1x32xf32, #tpu.memory_space<hbm>> -> memref<32xf32, #tpu.memory_space<hbm>>
        tpu.enqueue_dma source(%dma_start3A_91 : memref<32xf32, #tpu.memory_space<hbm>>) target(%dma_start3A_88 : memref<32xf32, #tpu.memory_space<vmem>>) target_semaphore(%arg12 : memref<!tpu.dma_semaphore, #tpu.memory_space<semaphore_mem>>)
        %slice3A_92 = vector.extract_strided_slice %get3A_40 {offsets = [1], sizes = [1], strides = [1]} : vector<16xi32> to vector<1xi32>
        %squeeze3A_93 = vector.extract %slice3A_92[0] : i32 from vector<1xi32>
        %mul3A_94 = arith.constant 16 : i32
        %mul3A_95 = arith.muli %scan3A_31, %mul3A_94 : i32
        %add3A_96 = arith.constant 1 : i32
        %add3A_97 = arith.addi %mul3A_95, %add3A_96 : i32
        %dma_start3A_98 = arith.constant 0 : i32
        %dma_start3A_99 = tpu.memref_slice %arg10[%add3A_97, %dma_start3A_98] : memref<256x32xf32, #tpu.memory_space<vmem>> -> memref<1x32xf32, #tpu.memory_space<vmem>>
        %dma_start3A_100 = tpu.memref_squeeze %dma_start3A_99 : memref<1x32xf32, #tpu.memory_space<vmem>> -> memref<32xf32, #tpu.memory_space<vmem>>
        %dma_start3A_101 = arith.constant 0 : i32
        %dma_start3A_102 = tpu.memref_slice %arg5[%squeeze3A_93, %dma_start3A_101] : memref<1000000x32xf32, #tpu.memory_space<hbm>> -> memref<1x32xf32, #tpu.memory_space<hbm>>
        %dma_start3A_103 = tpu.memref_squeeze %dma_start3A_102 : memref<1x32xf32, #tpu.memory_space<hbm>> -> memref<32xf32, #tpu.memory_space<hbm>>
        %dma_start3A_104 = arith.constant 0 : i32
        %dma_start3A_105 = tpu.memref_slice %arg10[%add3A_97, %dma_start3A_104] : memref<256x32xf32, #tpu.memory_space<vmem>> -> memref<1x32xf32, #tpu.memory_space<vmem>>
        %dma_start3A_106 = tpu.memref_squeeze %dma_start3A_105 : memref<1x32xf32, #tpu.memory_space<vmem>> -> memref<32xf32, #tpu.memory_space<vmem>>
        %dma_start3A_107 = arith.constant 0 : i32
        %dma_start3A_108 = tpu.memref_slice %arg5[%squeeze3A_93, %dma_start3A_107] : memref<1000000x32xf32, #tpu.memory_space<hbm>> -> memref<1x32xf32, #tpu.memory_space<hbm>>
        %dma_start3A_109 = tpu.memref_squeeze %dma_start3A_108 : memref<1x32xf32, #tpu.memory_space<hbm>> -> memref<32xf32, #tpu.memory_space<hbm>>
        tpu.enqueue_dma source(%dma_start3A_109 : memref<32xf32, #tpu.memory_space<hbm>>) target(%dma_start3A_106 : memref<32xf32, #tpu.memory_space<vmem>>) target_semaphore(%arg12 : memref<!tpu.dma_semaphore, #tpu.memory_space<semaphore_mem>>)
        %slice3A_110 = vector.extract_strided_slice %get3A_35 {offsets = [2], sizes = [1], strides = [1]} : vector<16xi32> to vector<1xi32>
        %squeeze3A_111 = vector.extract %slice3A_110[0] : i32 from vector<1xi32>
        %mul3A_112 = arith.constant 16 : i32
        %mul3A_113 = arith.muli %scan3A_31, %mul3A_112 : i32
        %add3A_114 = arith.constant 2 : i32
        %add3A_115 = arith.addi %mul3A_113, %add3A_114 : i32
        %dma_start3A_116 = arith.constant 0 : i32
        %dma_start3A_117 = tpu.memref_slice %arg9[%add3A_115, %dma_start3A_116] : memref<256x32xf32, #tpu.memory_space<vmem>> -> memref<1x32xf32, #tpu.memory_space<vmem>>
        %dma_start3A_118 = tpu.memref_squeeze %dma_start3A_117 : memref<1x32xf32, #tpu.memory_space<vmem>> -> memref<32xf32, #tpu.memory_space<vmem>>
        %dma_start3A_119 = arith.constant 0 : i32
        %dma_start3A_120 = tpu.memref_slice %arg4[%squeeze3A_111, %dma_start3A_119] : memref<1000000x32xf32, #tpu.memory_space<hbm>> -> memref<1x32xf32, #tpu.memory_space<hbm>>
        %dma_start3A_121 = tpu.memref_squeeze %dma_start3A_120 : memref<1x32xf32, #tpu.memory_space<hbm>> -> memref<32xf32, #tpu.memory_space<hbm>>
        %dma_start3A_122 = arith.constant 0 : i32
        %dma_start3A_123 = tpu.memref_slice %arg9[%add3A_115, %dma_start3A_122] : memref<256x32xf32, #tpu.memory_space<vmem>> -> memref<1x32xf32, #tpu.memory_space<vmem>>
        %dma_start3A_124 = tpu.memref_squeeze %dma_start3A_123 : memref<1x32xf32, #tpu.memory_space<vmem>> -> memref<32xf32, #tpu.memory_space<vmem>>
        %dma_start3A_125 = arith.constant 0 : i32
        %dma_start3A_126 = tpu.memref_slice %arg4[%squeeze3A_111, %dma_start3A_125] : memref<1000000x32xf32, #tpu.memory_space<hbm>> -> memref<1x32xf32, #tpu.memory_space<hbm>>
        %dma_start3A_127 = tpu.memref_squeeze %dma_start3A_126 : memref<1x32xf32, #tpu.memory_space<hbm>> -> memref<32xf32, #tpu.memory_space<hbm>>
        tpu.enqueue_dma source(%dma_start3A_127 : memref<32xf32, #tpu.memory_space<hbm>>) target(%dma_start3A_124 : memref<32xf32, #tpu.memory_space<vmem>>) target_semaphore(%arg12 : memref<!tpu.dma_semaphore, #tpu.memory_space<semaphore_mem>>)
        %slice3A_128 = vector.extract_strided_slice %get3A_40 {offsets = [2], sizes = [1], strides = [1]} : vector<16xi32> to vector<1xi32>
        %squeeze3A_129 = vector.extract %slice3A_128[0] : i32 from vector<1xi32>
        %mul3A_130 = arith.constant 16 : i32
        %mul3A_131 = arith.muli %scan3A_31, %mul3A_130 : i32
        %add3A_132 = arith.constant 2 : i32
        %add3A_133 = arith.addi %mul3A_131, %add3A_132 : i32
        %dma_start3A_134 = arith.constant 0 : i32
        %dma_start3A_135 = tpu.memref_slice %arg10[%add3A_133, %dma_start3A_134] : memref<256x32xf32, #tpu.memory_space<vmem>> -> memref<1x32xf32, #tpu.memory_space<vmem>>
        %dma_start3A_136 = tpu.memref_squeeze %dma_start3A_135 : memref<1x32xf32, #tpu.memory_space<vmem>> -> memref<32xf32, #tpu.memory_space<vmem>>
        %dma_start3A_137 = arith.constant 0 : i32
        %dma_start3A_138 = tpu.memref_slice %arg5[%squeeze3A_129, %dma_start3A_137] : memref<1000000x32xf32, #tpu.memory_space<hbm>> -> memref<1x32xf32, #tpu.memory_space<hbm>>
        %dma_start3A_139 = tpu.memref_squeeze %dma_start3A_138 : memref<1x32xf32, #tpu.memory_space<hbm>> -> memref<32xf32, #tpu.memory_space<hbm>>
        %dma_start3A_140 = arith.constant 0 : i32
        %dma_start3A_141 = tpu.memref_slice %arg10[%add3A_133, %dma_start3A_140] : memref<256x32xf32, #tpu.memory_space<vmem>> -> memref<1x32xf32, #tpu.memory_space<vmem>>
        %dma_start3A_142 = tpu.memref_squeeze %dma_start3A_141 : memref<1x32xf32, #tpu.memory_space<vmem>> -> memref<32xf32, #tpu.memory_space<vmem>>
        %dma_start3A_143 = arith.constant 0 : i32
        %dma_start3A_144 = tpu.memref_slice %arg5[%squeeze3A_129, %dma_start3A_143] : memref<1000000x32xf32, #tpu.memory_space<hbm>> -> memref<1x32xf32, #tpu.memory_space<hbm>>
        %dma_start3A_145 = tpu.memref_squeeze %dma_start3A_144 : memref<1x32xf32, #tpu.memory_space<hbm>> -> memref<32xf32, #tpu.memory_space<hbm>>
        tpu.enqueue_dma source(%dma_start3A_145 : memref<32xf32, #tpu.memory_space<hbm>>) target(%dma_start3A_142 : memref<32xf32, #tpu.memory_space<vmem>>) target_semaphore(%arg12 : memref<!tpu.dma_semaphore, #tpu.memory_space<semaphore_mem>>)
        %slice3A_146 = vector.extract_strided_slice %get3A_35 {offsets = [3], sizes = [1], strides = [1]} : vector<16xi32> to vector<1xi32>
        %squeeze3A_147 = vector.extract %slice3A_146[0] : i32 from vector<1xi32>
        %mul3A_148 = arith.constant 16 : i32
        %mul3A_149 = arith.muli %scan3A_31, %mul3A_148 : i32
        %add3A_150 = arith.constant 3 : i32
        %add3A_151 = arith.addi %mul3A_149, %add3A_150 : i32
        %dma_start3A_152 = arith.constant 0 : i32
        %dma_start3A_153 = tpu.memref_slice %arg9[%add3A_151, %dma_start3A_152] : memref<256x32xf32, #tpu.memory_space<vmem>> -> memref<1x32xf32, #tpu.memory_space<vmem>>
        %dma_start3A_154 = tpu.memref_squeeze %dma_start3A_153 : memref<1x32xf32, #tpu.memory_space<vmem>> -> memref<32xf32, #tpu.memory_space<vmem>>
        %dma_start3A_155 = arith.constant 0 : i32
        %dma_start3A_156 = tpu.memref_slice %arg4[%squeeze3A_147, %dma_start3A_155] : memref<1000000x32xf32, #tpu.memory_space<hbm>> -> memref<1x32xf32, #tpu.memory_space<hbm>>
        %dma_start3A_157 = tpu.memref_squeeze %dma_start3A_156 : memref<1x32xf32, #tpu.memory_space<hbm>> -> memref<32xf32, #tpu.memory_space<hbm>>
        %dma_start3A_158 = arith.constant 0 : i32
        %dma_start3A_159 = tpu.memref_slice %arg9[%add3A_151, %dma_start3A_158] : memref<256x32xf32, #tpu.memory_space<vmem>> -> memref<1x32xf32, #tpu.memory_space<vmem>>
        %dma_start3A_160 = tpu.memref_squeeze %dma_start3A_159 : memref<1x32xf32, #tpu.memory_space<vmem>> -> memref<32xf32, #tpu.memory_space<vmem>>
        %dma_start3A_161 = arith.constant 0 : i32
        %dma_start3A_162 = tpu.memref_slice %arg4[%squeeze3A_147, %dma_start3A_161] : memref<1000000x32xf32, #tpu.memory_space<hbm>> -> memref<1x32xf32, #tpu.memory_space<hbm>>
        %dma_start3A_163 = tpu.memref_squeeze %dma_start3A_162 : memref<1x32xf32, #tpu.memory_space<hbm>> -> memref<32xf32, #tpu.memory_space<hbm>>
        tpu.enqueue_dma source(%dma_start3A_163 : memref<32xf32, #tpu.memory_space<hbm>>) target(%dma_start3A_160 : memref<32xf32, #tpu.memory_space<vmem>>) target_semaphore(%arg12 : memref<!tpu.dma_semaphore, #tpu.memory_space<semaphore_mem>>)
        %slice3A_164 = vector.extract_strided_slice %get3A_40 {offsets = [3], sizes = [1], strides = [1]} : vector<16xi32> to vector<1xi32>
        %squeeze3A_165 = vector.extract %slice3A_164[0] : i32 from vector<1xi32>
        %mul3A_166 = arith.constant 16 : i32
        %mul3A_167 = arith.muli %scan3A_31, %mul3A_166 : i32
        %add3A_168 = arith.constant 3 : i32
        %add3A_169 = arith.addi %mul3A_167, %add3A_168 : i32
        %dma_start3A_170 = arith.constant 0 : i32
        %dma_start3A_171 = tpu.memref_slice %arg10[%add3A_169, %dma_start3A_170] : memref<256x32xf32, #tpu.memory_space<vmem>> -> memref<1x32xf32, #tpu.memory_space<vmem>>
        %dma_start3A_172 = tpu.memref_squeeze %dma_start3A_171 : memref<1x32xf32, #tpu.memory_space<vmem>> -> memref<32xf32, #tpu.memory_space<vmem>>
        %dma_start3A_173 = arith.constant 0 : i32
        %dma_start3A_174 = tpu.memref_slice %arg5[%squeeze3A_165, %dma_start3A_173] : memref<1000000x32xf32, #tpu.memory_space<hbm>> -> memref<1x32xf32, #tpu.memory_space<hbm>>
        %dma_start3A_175 = tpu.memref_squeeze %dma_start3A_174 : memref<1x32xf32, #tpu.memory_space<hbm>> -> memref<32xf32, #tpu.memory_space<hbm>>
        %dma_start3A_176 = arith.constant 0 : i32
        %dma_start3A_177 = tpu.memref_slice %arg10[%add3A_169, %dma_start3A_176] : memref<256x32xf32, #tpu.memory_space<vmem>> -> memref<1x32xf32, #tpu.memory_space<vmem>>
        %dma_start3A_178 = tpu.memref_squeeze %dma_start3A_177 : memref<1x32xf32, #tpu.memory_space<vmem>> -> memref<32xf32, #tpu.memory_space<vmem>>
        %dma_start3A_179 = arith.constant 0 : i32
        %dma_start3A_180 = tpu.memref_slice %arg5[%squeeze3A_165, %dma_start3A_179] : memref<1000000x32xf32, #tpu.memory_space<hbm>> -> memref<1x32xf32, #tpu.memory_space<hbm>>
        %dma_start3A_181 = tpu.memref_squeeze %dma_start3A_180 : memref<1x32xf32, #tpu.memory_space<hbm>> -> memref<32xf32, #tpu.memory_space<hbm>>
        tpu.enqueue_dma source(%dma_start3A_181 : memref<32xf32, #tpu.memory_space<hbm>>) target(%dma_start3A_178 : memref<32xf32, #tpu.memory_space<vmem>>) target_semaphore(%arg12 : memref<!tpu.dma_semaphore, #tpu.memory_space<semaphore_mem>>)
        %slice3A_182 = vector.extract_strided_slice %get3A_35 {offsets = [4], sizes = [1], strides = [1]} : vector<16xi32> to vector<1xi32>
        %squeeze3A_183 = vector.extract %slice3A_182[0] : i32 from vector<1xi32>
        %mul3A_184 = arith.constant 16 : i32
        %mul3A_185 = arith.muli %scan3A_31, %mul3A_184 : i32
        %add3A_186 = arith.constant 4 : i32
        %add3A_187 = arith.addi %mul3A_185, %add3A_186 : i32
        %dma_start3A_188 = arith.constant 0 : i32
        %dma_start3A_189 = tpu.memref_slice %arg9[%add3A_187, %dma_start3A_188] : memref<256x32xf32, #tpu.memory_space<vmem>> -> memref<1x32xf32, #tpu.memory_space<vmem>>
        %dma_start3A_190 = tpu.memref_squeeze %dma_start3A_189 : memref<1x32xf32, #tpu.memory_space<vmem>> -> memref<32xf32, #tpu.memory_space<vmem>>
        %dma_start3A_191 = arith.constant 0 : i32
        %dma_start3A_192 = tpu.memref_slice %arg4[%squeeze3A_183, %dma_start3A_191] : memref<1000000x32xf32, #tpu.memory_space<hbm>> -> memref<1x32xf32, #tpu.memory_space<hbm>>
        %dma_start3A_193 = tpu.memref_squeeze %dma_start3A_192 : memref<1x32xf32, #tpu.memory_space<hbm>> -> memref<32xf32, #tpu.memory_space<hbm>>
        %dma_start3A_194 = arith.constant 0 : i32
        %dma_start3A_195 = tpu.memref_slice %arg9[%add3A_187, %dma_start3A_194] : memref<256x32xf32, #tpu.memory_space<vmem>> -> memref<1x32xf32, #tpu.memory_space<vmem>>
        %dma_start3A_196 = tpu.memref_squeeze %dma_start3A_195 : memref<1x32xf32, #tpu.memory_space<vmem>> -> memref<32xf32, #tpu.memory_space<vmem>>
        %dma_start3A_197 = arith.constant 0 : i32
        %dma_start3A_198 = tpu.memref_slice %arg4[%squeeze3A_183, %dma_start3A_197] : memref<1000000x32xf32, #tpu.memory_space<hbm>> -> memref<1x32xf32, #tpu.memory_space<hbm>>
        %dma_start3A_199 = tpu.memref_squeeze %dma_start3A_198 : memref<1x32xf32, #tpu.memory_space<hbm>> -> memref<32xf32, #tpu.memory_space<hbm>>
        tpu.enqueue_dma source(%dma_start3A_199 : memref<32xf32, #tpu.memory_space<hbm>>) target(%dma_start3A_196 : memref<32xf32, #tpu.memory_space<vmem>>) target_semaphore(%arg12 : memref<!tpu.dma_semaphore, #tpu.memory_space<semaphore_mem>>)
        %slice3A_200 = vector.extract_strided_slice %get3A_40 {offsets = [4], sizes = [1], strides = [1]} : vector<16xi32> to vector<1xi32>
        %squeeze3A_201 = vector.extract %slice3A_200[0] : i32 from vector<1xi32>
        %mul3A_202 = arith.constant 16 : i32
        %mul3A_203 = arith.muli %scan3A_31, %mul3A_202 : i32
        %add3A_204 = arith.constant 4 : i32
        %add3A_205 = arith.addi %mul3A_203, %add3A_204 : i32
        %dma_start3A_206 = arith.constant 0 : i32
        %dma_start3A_207 = tpu.memref_slice %arg10[%add3A_205, %dma_start3A_206] : memref<256x32xf32, #tpu.memory_space<vmem>> -> memref<1x32xf32, #tpu.memory_space<vmem>>
        %dma_start3A_208 = tpu.memref_squeeze %dma_start3A_207 : memref<1x32xf32, #tpu.memory_space<vmem>> -> memref<32xf32, #tpu.memory_space<vmem>>
        %dma_start3A_209 = arith.constant 0 : i32
        %dma_start3A_210 = tpu.memref_slice %arg5[%squeeze3A_201, %dma_start3A_209] : memref<1000000x32xf32, #tpu.memory_space<hbm>> -> memref<1x32xf32, #tpu.memory_space<hbm>>
        %dma_start3A_211 = tpu.memref_squeeze %dma_start3A_210 : memref<1x32xf32, #tpu.memory_space<hbm>> -> memref<32xf32, #tpu.memory_space<hbm>>
        %dma_start3A_212 = arith.constant 0 : i32
        %dma_start3A_213 = tpu.memref_slice %arg10[%add3A_205, %dma_start3A_212] : memref<256x32xf32, #tpu.memory_space<vmem>> -> memref<1x32xf32, #tpu.memory_space<vmem>>
        %dma_start3A_214 = tpu.memref_squeeze %dma_start3A_213 : memref<1x32xf32, #tpu.memory_space<vmem>> -> memref<32xf32, #tpu.memory_space<vmem>>
        %dma_start3A_215 = arith.constant 0 : i32
        %dma_start3A_216 = tpu.memref_slice %arg5[%squeeze3A_201, %dma_start3A_215] : memref<1000000x32xf32, #tpu.memory_space<hbm>> -> memref<1x32xf32, #tpu.memory_space<hbm>>
        %dma_start3A_217 = tpu.memref_squeeze %dma_start3A_216 : memref<1x32xf32, #tpu.memory_space<hbm>> -> memref<32xf32, #tpu.memory_space<hbm>>
        tpu.enqueue_dma source(%dma_start3A_217 : memref<32xf32, #tpu.memory_space<hbm>>) target(%dma_start3A_214 : memref<32xf32, #tpu.memory_space<vmem>>) target_semaphore(%arg12 : memref<!tpu.dma_semaphore, #tpu.memory_space<semaphore_mem>>)
        %slice3A_218 = vector.extract_strided_slice %get3A_35 {offsets = [5], sizes = [1], strides = [1]} : vector<16xi32> to vector<1xi32>
        %squeeze3A_219 = vector.extract %slice3A_218[0] : i32 from vector<1xi32>
        %mul3A_220 = arith.constant 16 : i32
        %mul3A_221 = arith.muli %scan3A_31, %mul3A_220 : i32
        %add3A_222 = arith.constant 5 : i32
        %add3A_223 = arith.addi %mul3A_221, %add3A_222 : i32
        %dma_start3A_224 = arith.constant 0 : i32
        %dma_start3A_225 = tpu.memref_slice %arg9[%add3A_223, %dma_start3A_224] : memref<256x32xf32, #tpu.memory_space<vmem>> -> memref<1x32xf32, #tpu.memory_space<vmem>>
        %dma_start3A_226 = tpu.memref_squeeze %dma_start3A_225 : memref<1x32xf32, #tpu.memory_space<vmem>> -> memref<32xf32, #tpu.memory_space<vmem>>
        %dma_start3A_227 = arith.constant 0 : i32
        %dma_start3A_228 = tpu.memref_slice %arg4[%squeeze3A_219, %dma_start3A_227] : memref<1000000x32xf32, #tpu.memory_space<hbm>> -> memref<1x32xf32, #tpu.memory_space<hbm>>
        %dma_start3A_229 = tpu.memref_squeeze %dma_start3A_228 : memref<1x32xf32, #tpu.memory_space<hbm>> -> memref<32xf32, #tpu.memory_space<hbm>>
        %dma_start3A_230 = arith.constant 0 : i32
        %dma_start3A_231 = tpu.memref_slice %arg9[%add3A_223, %dma_start3A_230] : memref<256x32xf32, #tpu.memory_space<vmem>> -> memref<1x32xf32, #tpu.memory_space<vmem>>
        %dma_start3A_232 = tpu.memref_squeeze %dma_start3A_231 : memref<1x32xf32, #tpu.memory_space<vmem>> -> memref<32xf32, #tpu.memory_space<vmem>>
        %dma_start3A_233 = arith.constant 0 : i32
        %dma_start3A_234 = tpu.memref_slice %arg4[%squeeze3A_219, %dma_start3A_233] : memref<1000000x32xf32, #tpu.memory_space<hbm>> -> memref<1x32xf32, #tpu.memory_space<hbm>>
        %dma_start3A_235 = tpu.memref_squeeze %dma_start3A_234 : memref<1x32xf32, #tpu.memory_space<hbm>> -> memref<32xf32, #tpu.memory_space<hbm>>
        tpu.enqueue_dma source(%dma_start3A_235 : memref<32xf32, #tpu.memory_space<hbm>>) target(%dma_start3A_232 : memref<32xf32, #tpu.memory_space<vmem>>) target_semaphore(%arg12 : memref<!tpu.dma_semaphore, #tpu.memory_space<semaphore_mem>>)
        %slice3A_236 = vector.extract_strided_slice %get3A_40 {offsets = [5], sizes = [1], strides = [1]} : vector<16xi32> to vector<1xi32>
        %squeeze3A_237 = vector.extract %slice3A_236[0] : i32 from vector<1xi32>
        %mul3A_238 = arith.constant 16 : i32
        %mul3A_239 = arith.muli %scan3A_31, %mul3A_238 : i32
        %add3A_240 = arith.constant 5 : i32
        %add3A_241 = arith.addi %mul3A_239, %add3A_240 : i32
        %dma_start3A_242 = arith.constant 0 : i32
        %dma_start3A_243 = tpu.memref_slice %arg10[%add3A_241, %dma_start3A_242] : memref<256x32xf32, #tpu.memory_space<vmem>> -> memref<1x32xf32, #tpu.memory_space<vmem>>
        %dma_start3A_244 = tpu.memref_squeeze %dma_start3A_243 : memref<1x32xf32, #tpu.memory_space<vmem>> -> memref<32xf32, #tpu.memory_space<vmem>>
        %dma_start3A_245 = arith.constant 0 : i32
        %dma_start3A_246 = tpu.memref_slice %arg5[%squeeze3A_237, %dma_start3A_245] : memref<1000000x32xf32, #tpu.memory_space<hbm>> -> memref<1x32xf32, #tpu.memory_space<hbm>>
        %dma_start3A_247 = tpu.memref_squeeze %dma_start3A_246 : memref<1x32xf32, #tpu.memory_space<hbm>> -> memref<32xf32, #tpu.memory_space<hbm>>
        %dma_start3A_248 = arith.constant 0 : i32
        %dma_start3A_249 = tpu.memref_slice %arg10[%add3A_241, %dma_start3A_248] : memref<256x32xf32, #tpu.memory_space<vmem>> -> memref<1x32xf32, #tpu.memory_space<vmem>>
        %dma_start3A_250 = tpu.memref_squeeze %dma_start3A_249 : memref<1x32xf32, #tpu.memory_space<vmem>> -> memref<32xf32, #tpu.memory_space<vmem>>
        %dma_start3A_251 = arith.constant 0 : i32
        %dma_start3A_252 = tpu.memref_slice %arg5[%squeeze3A_237, %dma_start3A_251] : memref<1000000x32xf32, #tpu.memory_space<hbm>> -> memref<1x32xf32, #tpu.memory_space<hbm>>
        %dma_start3A_253 = tpu.memref_squeeze %dma_start3A_252 : memref<1x32xf32, #tpu.memory_space<hbm>> -> memref<32xf32, #tpu.memory_space<hbm>>
        tpu.enqueue_dma source(%dma_start3A_253 : memref<32xf32, #tpu.memory_space<hbm>>) target(%dma_start3A_250 : memref<32xf32, #tpu.memory_space<vmem>>) target_semaphore(%arg12 : memref<!tpu.dma_semaphore, #tpu.memory_space<semaphore_mem>>)
        %slice3A_254 = vector.extract_strided_slice %get3A_35 {offsets = [6], sizes = [1], strides = [1]} : vector<16xi32> to vector<1xi32>
        %squeeze3A_255 = vector.extract %slice3A_254[0] : i32 from vector<1xi32>
        %mul3A_256 = arith.constant 16 : i32
        %mul3A_257 = arith.muli %scan3A_31, %mul3A_256 : i32
        %add3A_258 = arith.constant 6 : i32
        %add3A_259 = arith.addi %mul3A_257, %add3A_258 : i32
        %dma_start3A_260 = arith.constant 0 : i32
        %dma_start3A_261 = tpu.memref_slice %arg9[%add3A_259, %dma_start3A_260] : memref<256x32xf32, #tpu.memory_space<vmem>> -> memref<1x32xf32, #tpu.memory_space<vmem>>
        %dma_start3A_262 = tpu.memref_squeeze %dma_start3A_261 : memref<1x32xf32, #tpu.memory_space<vmem>> -> memref<32xf32, #tpu.memory_space<vmem>>
        %dma_start3A_263 = arith.constant 0 : i32
        %dma_start3A_264 = tpu.memref_slice %arg4[%squeeze3A_255, %dma_start3A_263] : memref<1000000x32xf32, #tpu.memory_space<hbm>> -> memref<1x32xf32, #tpu.memory_space<hbm>>
        %dma_start3A_265 = tpu.memref_squeeze %dma_start3A_264 : memref<1x32xf32, #tpu.memory_space<hbm>> -> memref<32xf32, #tpu.memory_space<hbm>>
        %dma_start3A_266 = arith.constant 0 : i32
        %dma_start3A_267 = tpu.memref_slice %arg9[%add3A_259, %dma_start3A_266] : memref<256x32xf32, #tpu.memory_space<vmem>> -> memref<1x32xf32, #tpu.memory_space<vmem>>
        %dma_start3A_268 = tpu.memref_squeeze %dma_start3A_267 : memref<1x32xf32, #tpu.memory_space<vmem>> -> memref<32xf32, #tpu.memory_space<vmem>>
        %dma_start3A_269 = arith.constant 0 : i32
        %dma_start3A_270 = tpu.memref_slice %arg4[%squeeze3A_255, %dma_start3A_269] : memref<1000000x32xf32, #tpu.memory_space<hbm>> -> memref<1x32xf32, #tpu.memory_space<hbm>>
        %dma_start3A_271 = tpu.memref_squeeze %dma_start3A_270 : memref<1x32xf32, #tpu.memory_space<hbm>> -> memref<32xf32, #tpu.memory_space<hbm>>
        tpu.enqueue_dma source(%dma_start3A_271 : memref<32xf32, #tpu.memory_space<hbm>>) target(%dma_start3A_268 : memref<32xf32, #tpu.memory_space<vmem>>) target_semaphore(%arg12 : memref<!tpu.dma_semaphore, #tpu.memory_space<semaphore_mem>>)
        %slice3A_272 = vector.extract_strided_slice %get3A_40 {offsets = [6], sizes = [1], strides = [1]} : vector<16xi32> to vector<1xi32>
        %squeeze3A_273 = vector.extract %slice3A_272[0] : i32 from vector<1xi32>
        %mul3A_274 = arith.constant 16 : i32
        %mul3A_275 = arith.muli %scan3A_31, %mul3A_274 : i32
        %add3A_276 = arith.constant 6 : i32
        %add3A_277 = arith.addi %mul3A_275, %add3A_276 : i32
        %dma_start3A_278 = arith.constant 0 : i32
        %dma_start3A_279 = tpu.memref_slice %arg10[%add3A_277, %dma_start3A_278] : memref<256x32xf32, #tpu.memory_space<vmem>> -> memref<1x32xf32, #tpu.memory_space<vmem>>
        %dma_start3A_280 = tpu.memref_squeeze %dma_start3A_279 : memref<1x32xf32, #tpu.memory_space<vmem>> -> memref<32xf32, #tpu.memory_space<vmem>>
        %dma_start3A_281 = arith.constant 0 : i32
        %dma_start3A_282 = tpu.memref_slice %arg5[%squeeze3A_273, %dma_start3A_281] : memref<1000000x32xf32, #tpu.memory_space<hbm>> -> memref<1x32xf32, #tpu.memory_space<hbm>>
        %dma_start3A_283 = tpu.memref_squeeze %dma_start3A_282 : memref<1x32xf32, #tpu.memory_space<hbm>> -> memref<32xf32, #tpu.memory_space<hbm>>
        %dma_start3A_284 = arith.constant 0 : i32
        %dma_start3A_285 = tpu.memref_slice %arg10[%add3A_277, %dma_start3A_284] : memref<256x32xf32, #tpu.memory_space<vmem>> -> memref<1x32xf32, #tpu.memory_space<vmem>>
        %dma_start3A_286 = tpu.memref_squeeze %dma_start3A_285 : memref<1x32xf32, #tpu.memory_space<vmem>> -> memref<32xf32, #tpu.memory_space<vmem>>
        %dma_start3A_287 = arith.constant 0 : i32
        %dma_start3A_288 = tpu.memref_slice %arg5[%squeeze3A_273, %dma_start3A_287] : memref<1000000x32xf32, #tpu.memory_space<hbm>> -> memref<1x32xf32, #tpu.memory_space<hbm>>
        %dma_start3A_289 = tpu.memref_squeeze %dma_start3A_288 : memref<1x32xf32, #tpu.memory_space<hbm>> -> memref<32xf32, #tpu.memory_space<hbm>>
        tpu.enqueue_dma source(%dma_start3A_289 : memref<32xf32, #tpu.memory_space<hbm>>) target(%dma_start3A_286 : memref<32xf32, #tpu.memory_space<vmem>>) target_semaphore(%arg12 : memref<!tpu.dma_semaphore, #tpu.memory_space<semaphore_mem>>)
        %slice3A_290 = vector.extract_strided_slice %get3A_35 {offsets = [7], sizes = [1], strides = [1]} : vector<16xi32> to vector<1xi32>
        %squeeze3A_291 = vector.extract %slice3A_290[0] : i32 from vector<1xi32>
        %mul3A_292 = arith.constant 16 : i32
        %mul3A_293 = arith.muli %scan3A_31, %mul3A_292 : i32
        %add3A_294 = arith.constant 7 : i32
        %add3A_295 = arith.addi %mul3A_293, %add3A_294 : i32
        %dma_start3A_296 = arith.constant 0 : i32
        %dma_start3A_297 = tpu.memref_slice %arg9[%add3A_295, %dma_start3A_296] : memref<256x32xf32, #tpu.memory_space<vmem>> -> memref<1x32xf32, #tpu.memory_space<vmem>>
        %dma_start3A_298 = tpu.memref_squeeze %dma_start3A_297 : memref<1x32xf32, #tpu.memory_space<vmem>> -> memref<32xf32, #tpu.memory_space<vmem>>
        %dma_start3A_299 = arith.constant 0 : i32
        %dma_start3A_300 = tpu.memref_slice %arg4[%squeeze3A_291, %dma_start3A_299] : memref<1000000x32xf32, #tpu.memory_space<hbm>> -> memref<1x32xf32, #tpu.memory_space<hbm>>
        %dma_start3A_301 = tpu.memref_squeeze %dma_start3A_300 : memref<1x32xf32, #tpu.memory_space<hbm>> -> memref<32xf32, #tpu.memory_space<hbm>>
        %dma_start3A_302 = arith.constant 0 : i32
        %dma_start3A_303 = tpu.memref_slice %arg9[%add3A_295, %dma_start3A_302] : memref<256x32xf32, #tpu.memory_space<vmem>> -> memref<1x32xf32, #tpu.memory_space<vmem>>
        %dma_start3A_304 = tpu.memref_squeeze %dma_start3A_303 : memref<1x32xf32, #tpu.memory_space<vmem>> -> memref<32xf32, #tpu.memory_space<vmem>>
        %dma_start3A_305 = arith.constant 0 : i32
        %dma_start3A_306 = tpu.memref_slice %arg4[%squeeze3A_291, %dma_start3A_305] : memref<1000000x32xf32, #tpu.memory_space<hbm>> -> memref<1x32xf32, #tpu.memory_space<hbm>>
        %dma_start3A_307 = tpu.memref_squeeze %dma_start3A_306 : memref<1x32xf32, #tpu.memory_space<hbm>> -> memref<32xf32, #tpu.memory_space<hbm>>
        tpu.enqueue_dma source(%dma_start3A_307 : memref<32xf32, #tpu.memory_space<hbm>>) target(%dma_start3A_304 : memref<32xf32, #tpu.memory_space<vmem>>) target_semaphore(%arg12 : memref<!tpu.dma_semaphore, #tpu.memory_space<semaphore_mem>>)
        %slice3A_308 = vector.extract_strided_slice %get3A_40 {offsets = [7], sizes = [1], strides = [1]} : vector<16xi32> to vector<1xi32>
        %squeeze3A_309 = vector.extract %slice3A_308[0] : i32 from vector<1xi32>
        %mul3A_310 = arith.constant 16 : i32
        %mul3A_311 = arith.muli %scan3A_31, %mul3A_310 : i32
        %add3A_312 = arith.constant 7 : i32
        %add3A_313 = arith.addi %mul3A_311, %add3A_312 : i32
        %dma_start3A_314 = arith.constant 0 : i32
        %dma_start3A_315 = tpu.memref_slice %arg10[%add3A_313, %dma_start3A_314] : memref<256x32xf32, #tpu.memory_space<vmem>> -> memref<1x32xf32, #tpu.memory_space<vmem>>
        %dma_start3A_316 = tpu.memref_squeeze %dma_start3A_315 : memref<1x32xf32, #tpu.memory_space<vmem>> -> memref<32xf32, #tpu.memory_space<vmem>>
        %dma_start3A_317 = arith.constant 0 : i32
        %dma_start3A_318 = tpu.memref_slice %arg5[%squeeze3A_309, %dma_start3A_317] : memref<1000000x32xf32, #tpu.memory_space<hbm>> -> memref<1x32xf32, #tpu.memory_space<hbm>>
        %dma_start3A_319 = tpu.memref_squeeze %dma_start3A_318 : memref<1x32xf32, #tpu.memory_space<hbm>> -> memref<32xf32, #tpu.memory_space<hbm>>
        %dma_start3A_320 = arith.constant 0 : i32
        %dma_start3A_321 = tpu.memref_slice %arg10[%add3A_313, %dma_start3A_320] : memref<256x32xf32, #tpu.memory_space<vmem>> -> memref<1x32xf32, #tpu.memory_space<vmem>>
        %dma_start3A_322 = tpu.memref_squeeze %dma_start3A_321 : memref<1x32xf32, #tpu.memory_space<vmem>> -> memref<32xf32, #tpu.memory_space<vmem>>
        %dma_start3A_323 = arith.constant 0 : i32
        %dma_start3A_324 = tpu.memref_slice %arg5[%squeeze3A_309, %dma_start3A_323] : memref<1000000x32xf32, #tpu.memory_space<hbm>> -> memref<1x32xf32, #tpu.memory_space<hbm>>
        %dma_start3A_325 = tpu.memref_squeeze %dma_start3A_324 : memref<1x32xf32, #tpu.memory_space<hbm>> -> memref<32xf32, #tpu.memory_space<hbm>>
        tpu.enqueue_dma source(%dma_start3A_325 : memref<32xf32, #tpu.memory_space<hbm>>) target(%dma_start3A_322 : memref<32xf32, #tpu.memory_space<vmem>>) target_semaphore(%arg12 : memref<!tpu.dma_semaphore, #tpu.memory_space<semaphore_mem>>)
        %slice3A_326 = vector.extract_strided_slice %get3A_35 {offsets = [8], sizes = [1], strides = [1]} : vector<16xi32> to vector<1xi32>
        %squeeze3A_327 = vector.extract %slice3A_326[0] : i32 from vector<1xi32>
        %mul3A_328 = arith.constant 16 : i32
        %mul3A_329 = arith.muli %scan3A_31, %mul3A_328 : i32
        %add3A_330 = arith.constant 8 : i32
        %add3A_331 = arith.addi %mul3A_329, %add3A_330 : i32
        %dma_start3A_332 = arith.constant 0 : i32
        %dma_start3A_333 = tpu.memref_slice %arg9[%add3A_331, %dma_start3A_332] : memref<256x32xf32, #tpu.memory_space<vmem>> -> memref<1x32xf32, #tpu.memory_space<vmem>>
        %dma_start3A_334 = tpu.memref_squeeze %dma_start3A_333 : memref<1x32xf32, #tpu.memory_space<vmem>> -> memref<32xf32, #tpu.memory_space<vmem>>
        %dma_start3A_335 = arith.constant 0 : i32
        %dma_start3A_336 = tpu.memref_slice %arg4[%squeeze3A_327, %dma_start3A_335] : memref<1000000x32xf32, #tpu.memory_space<hbm>> -> memref<1x32xf32, #tpu.memory_space<hbm>>
        %dma_start3A_337 = tpu.memref_squeeze %dma_start3A_336 : memref<1x32xf32, #tpu.memory_space<hbm>> -> memref<32xf32, #tpu.memory_space<hbm>>
        %dma_start3A_338 = arith.constant 0 : i32
        %dma_start3A_339 = tpu.memref_slice %arg9[%add3A_331, %dma_start3A_338] : memref<256x32xf32, #tpu.memory_space<vmem>> -> memref<1x32xf32, #tpu.memory_space<vmem>>
        %dma_start3A_340 = tpu.memref_squeeze %dma_start3A_339 : memref<1x32xf32, #tpu.memory_space<vmem>> -> memref<32xf32, #tpu.memory_space<vmem>>
        %dma_start3A_341 = arith.constant 0 : i32
        %dma_start3A_342 = tpu.memref_slice %arg4[%squeeze3A_327, %dma_start3A_341] : memref<1000000x32xf32, #tpu.memory_space<hbm>> -> memref<1x32xf32, #tpu.memory_space<hbm>>
        %dma_start3A_343 = tpu.memref_squeeze %dma_start3A_342 : memref<1x32xf32, #tpu.memory_space<hbm>> -> memref<32xf32, #tpu.memory_space<hbm>>
        tpu.enqueue_dma source(%dma_start3A_343 : memref<32xf32, #tpu.memory_space<hbm>>) target(%dma_start3A_340 : memref<32xf32, #tpu.memory_space<vmem>>) target_semaphore(%arg12 : memref<!tpu.dma_semaphore, #tpu.memory_space<semaphore_mem>>)
        %slice3A_344 = vector.extract_strided_slice %get3A_40 {offsets = [8], sizes = [1], strides = [1]} : vector<16xi32> to vector<1xi32>
        %squeeze3A_345 = vector.extract %slice3A_344[0] : i32 from vector<1xi32>
        %mul3A_346 = arith.constant 16 : i32
        %mul3A_347 = arith.muli %scan3A_31, %mul3A_346 : i32
        %add3A_348 = arith.constant 8 : i32
        %add3A_349 = arith.addi %mul3A_347, %add3A_348 : i32
        %dma_start3A_350 = arith.constant 0 : i32
        %dma_start3A_351 = tpu.memref_slice %arg10[%add3A_349, %dma_start3A_350] : memref<256x32xf32, #tpu.memory_space<vmem>> -> memref<1x32xf32, #tpu.memory_space<vmem>>
        %dma_start3A_352 = tpu.memref_squeeze %dma_start3A_351 : memref<1x32xf32, #tpu.memory_space<vmem>> -> memref<32xf32, #tpu.memory_space<vmem>>
        %dma_start3A_353 = arith.constant 0 : i32
        %dma_start3A_354 = tpu.memref_slice %arg5[%squeeze3A_345, %dma_start3A_353] : memref<1000000x32xf32, #tpu.memory_space<hbm>> -> memref<1x32xf32, #tpu.memory_space<hbm>>
        %dma_start3A_355 = tpu.memref_squeeze %dma_start3A_354 : memref<1x32xf32, #tpu.memory_space<hbm>> -> memref<32xf32, #tpu.memory_space<hbm>>
        %dma_start3A_356 = arith.constant 0 : i32
        %dma_start3A_357 = tpu.memref_slice %arg10[%add3A_349, %dma_start3A_356] : memref<256x32xf32, #tpu.memory_space<vmem>> -> memref<1x32xf32, #tpu.memory_space<vmem>>
        %dma_start3A_358 = tpu.memref_squeeze %dma_start3A_357 : memref<1x32xf32, #tpu.memory_space<vmem>> -> memref<32xf32, #tpu.memory_space<vmem>>
        %dma_start3A_359 = arith.constant 0 : i32
        %dma_start3A_360 = tpu.memref_slice %arg5[%squeeze3A_345, %dma_start3A_359] : memref<1000000x32xf32, #tpu.memory_space<hbm>> -> memref<1x32xf32, #tpu.memory_space<hbm>>
        %dma_start3A_361 = tpu.memref_squeeze %dma_start3A_360 : memref<1x32xf32, #tpu.memory_space<hbm>> -> memref<32xf32, #tpu.memory_space<hbm>>
        tpu.enqueue_dma source(%dma_start3A_361 : memref<32xf32, #tpu.memory_space<hbm>>) target(%dma_start3A_358 : memref<32xf32, #tpu.memory_space<vmem>>) target_semaphore(%arg12 : memref<!tpu.dma_semaphore, #tpu.memory_space<semaphore_mem>>)
        %slice3A_362 = vector.extract_strided_slice %get3A_35 {offsets = [9], sizes = [1], strides = [1]} : vector<16xi32> to vector<1xi32>
        %squeeze3A_363 = vector.extract %slice3A_362[0] : i32 from vector<1xi32>
        %mul3A_364 = arith.constant 16 : i32
        %mul3A_365 = arith.muli %scan3A_31, %mul3A_364 : i32
        %add3A_366 = arith.constant 9 : i32
        %add3A_367 = arith.addi %mul3A_365, %add3A_366 : i32
        %dma_start3A_368 = arith.constant 0 : i32
        %dma_start3A_369 = tpu.memref_slice %arg9[%add3A_367, %dma_start3A_368] : memref<256x32xf32, #tpu.memory_space<vmem>> -> memref<1x32xf32, #tpu.memory_space<vmem>>
        %dma_start3A_370 = tpu.memref_squeeze %dma_start3A_369 : memref<1x32xf32, #tpu.memory_space<vmem>> -> memref<32xf32, #tpu.memory_space<vmem>>
        %dma_start3A_371 = arith.constant 0 : i32
        %dma_start3A_372 = tpu.memref_slice %arg4[%squeeze3A_363, %dma_start3A_371] : memref<1000000x32xf32, #tpu.memory_space<hbm>> -> memref<1x32xf32, #tpu.memory_space<hbm>>
        %dma_start3A_373 = tpu.memref_squeeze %dma_start3A_372 : memref<1x32xf32, #tpu.memory_space<hbm>> -> memref<32xf32, #tpu.memory_space<hbm>>
        %dma_start3A_374 = arith.constant 0 : i32
        %dma_start3A_375 = tpu.memref_slice %arg9[%add3A_367, %dma_start3A_374] : memref<256x32xf32, #tpu.memory_space<vmem>> -> memref<1x32xf32, #tpu.memory_space<vmem>>
        %dma_start3A_376 = tpu.memref_squeeze %dma_start3A_375 : memref<1x32xf32, #tpu.memory_space<vmem>> -> memref<32xf32, #tpu.memory_space<vmem>>
        %dma_start3A_377 = arith.constant 0 : i32
        %dma_start3A_378 = tpu.memref_slice %arg4[%squeeze3A_363, %dma_start3A_377] : memref<1000000x32xf32, #tpu.memory_space<hbm>> -> memref<1x32xf32, #tpu.memory_space<hbm>>
        %dma_start3A_379 = tpu.memref_squeeze %dma_start3A_378 : memref<1x32xf32, #tpu.memory_space<hbm>> -> memref<32xf32, #tpu.memory_space<hbm>>
        tpu.enqueue_dma source(%dma_start3A_379 : memref<32xf32, #tpu.memory_space<hbm>>) target(%dma_start3A_376 : memref<32xf32, #tpu.memory_space<vmem>>) target_semaphore(%arg12 : memref<!tpu.dma_semaphore, #tpu.memory_space<semaphore_mem>>)
        %slice3A_380 = vector.extract_strided_slice %get3A_40 {offsets = [9], sizes = [1], strides = [1]} : vector<16xi32> to vector<1xi32>
        %squeeze3A_381 = vector.extract %slice3A_380[0] : i32 from vector<1xi32>
        %mul3A_382 = arith.constant 16 : i32
        %mul3A_383 = arith.muli %scan3A_31, %mul3A_382 : i32
        %add3A_384 = arith.constant 9 : i32
        %add3A_385 = arith.addi %mul3A_383, %add3A_384 : i32
        %dma_start3A_386 = arith.constant 0 : i32
        %dma_start3A_387 = tpu.memref_slice %arg10[%add3A_385, %dma_start3A_386] : memref<256x32xf32, #tpu.memory_space<vmem>> -> memref<1x32xf32, #tpu.memory_space<vmem>>
        %dma_start3A_388 = tpu.memref_squeeze %dma_start3A_387 : memref<1x32xf32, #tpu.memory_space<vmem>> -> memref<32xf32, #tpu.memory_space<vmem>>
        %dma_start3A_389 = arith.constant 0 : i32
        %dma_start3A_390 = tpu.memref_slice %arg5[%squeeze3A_381, %dma_start3A_389] : memref<1000000x32xf32, #tpu.memory_space<hbm>> -> memref<1x32xf32, #tpu.memory_space<hbm>>
        %dma_start3A_391 = tpu.memref_squeeze %dma_start3A_390 : memref<1x32xf32, #tpu.memory_space<hbm>> -> memref<32xf32, #tpu.memory_space<hbm>>
        %dma_start3A_392 = arith.constant 0 : i32
        %dma_start3A_393 = tpu.memref_slice %arg10[%add3A_385, %dma_start3A_392] : memref<256x32xf32, #tpu.memory_space<vmem>> -> memref<1x32xf32, #tpu.memory_space<vmem>>
        %dma_start3A_394 = tpu.memref_squeeze %dma_start3A_393 : memref<1x32xf32, #tpu.memory_space<vmem>> -> memref<32xf32, #tpu.memory_space<vmem>>
        %dma_start3A_395 = arith.constant 0 : i32
        %dma_start3A_396 = tpu.memref_slice %arg5[%squeeze3A_381, %dma_start3A_395] : memref<1000000x32xf32, #tpu.memory_space<hbm>> -> memref<1x32xf32, #tpu.memory_space<hbm>>
        %dma_start3A_397 = tpu.memref_squeeze %dma_start3A_396 : memref<1x32xf32, #tpu.memory_space<hbm>> -> memref<32xf32, #tpu.memory_space<hbm>>
        tpu.enqueue_dma source(%dma_start3A_397 : memref<32xf32, #tpu.memory_space<hbm>>) target(%dma_start3A_394 : memref<32xf32, #tpu.memory_space<vmem>>) target_semaphore(%arg12 : memref<!tpu.dma_semaphore, #tpu.memory_space<semaphore_mem>>)
        %slice3A_398 = vector.extract_strided_slice %get3A_35 {offsets = [10], sizes = [1], strides = [1]} : vector<16xi32> to vector<1xi32>
        %squeeze3A_399 = vector.extract %slice3A_398[0] : i32 from vector<1xi32>
        %mul3A_400 = arith.constant 16 : i32
        %mul3A_401 = arith.muli %scan3A_31, %mul3A_400 : i32
        %add3A_402 = arith.constant 10 : i32
        %add3A_403 = arith.addi %mul3A_401, %add3A_402 : i32
        %dma_start3A_404 = arith.constant 0 : i32
        %dma_start3A_405 = tpu.memref_slice %arg9[%add3A_403, %dma_start3A_404] : memref<256x32xf32, #tpu.memory_space<vmem>> -> memref<1x32xf32, #tpu.memory_space<vmem>>
        %dma_start3A_406 = tpu.memref_squeeze %dma_start3A_405 : memref<1x32xf32, #tpu.memory_space<vmem>> -> memref<32xf32, #tpu.memory_space<vmem>>
        %dma_start3A_407 = arith.constant 0 : i32
        %dma_start3A_408 = tpu.memref_slice %arg4[%squeeze3A_399, %dma_start3A_407] : memref<1000000x32xf32, #tpu.memory_space<hbm>> -> memref<1x32xf32, #tpu.memory_space<hbm>>
        %dma_start3A_409 = tpu.memref_squeeze %dma_start3A_408 : memref<1x32xf32, #tpu.memory_space<hbm>> -> memref<32xf32, #tpu.memory_space<hbm>>
        %dma_start3A_410 = arith.constant 0 : i32
        %dma_start3A_411 = tpu.memref_slice %arg9[%add3A_403, %dma_start3A_410] : memref<256x32xf32, #tpu.memory_space<vmem>> -> memref<1x32xf32, #tpu.memory_space<vmem>>
        %dma_start3A_412 = tpu.memref_squeeze %dma_start3A_411 : memref<1x32xf32, #tpu.memory_space<vmem>> -> memref<32xf32, #tpu.memory_space<vmem>>
        %dma_start3A_413 = arith.constant 0 : i32
        %dma_start3A_414 = tpu.memref_slice %arg4[%squeeze3A_399, %dma_start3A_413] : memref<1000000x32xf32, #tpu.memory_space<hbm>> -> memref<1x32xf32, #tpu.memory_space<hbm>>
        %dma_start3A_415 = tpu.memref_squeeze %dma_start3A_414 : memref<1x32xf32, #tpu.memory_space<hbm>> -> memref<32xf32, #tpu.memory_space<hbm>>
        tpu.enqueue_dma source(%dma_start3A_415 : memref<32xf32, #tpu.memory_space<hbm>>) target(%dma_start3A_412 : memref<32xf32, #tpu.memory_space<vmem>>) target_semaphore(%arg12 : memref<!tpu.dma_semaphore, #tpu.memory_space<semaphore_mem>>)
        %slice3A_416 = vector.extract_strided_slice %get3A_40 {offsets = [10], sizes = [1], strides = [1]} : vector<16xi32> to vector<1xi32>
        %squeeze3A_417 = vector.extract %slice3A_416[0] : i32 from vector<1xi32>
        %mul3A_418 = arith.constant 16 : i32
        %mul3A_419 = arith.muli %scan3A_31, %mul3A_418 : i32
        %add3A_420 = arith.constant 10 : i32
        %add3A_421 = arith.addi %mul3A_419, %add3A_420 : i32
        %dma_start3A_422 = arith.constant 0 : i32
        %dma_start3A_423 = tpu.memref_slice %arg10[%add3A_421, %dma_start3A_422] : memref<256x32xf32, #tpu.memory_space<vmem>> -> memref<1x32xf32, #tpu.memory_space<vmem>>
        %dma_start3A_424 = tpu.memref_squeeze %dma_start3A_423 : memref<1x32xf32, #tpu.memory_space<vmem>> -> memref<32xf32, #tpu.memory_space<vmem>>
        %dma_start3A_425 = arith.constant 0 : i32
        %dma_start3A_426 = tpu.memref_slice %arg5[%squeeze3A_417, %dma_start3A_425] : memref<1000000x32xf32, #tpu.memory_space<hbm>> -> memref<1x32xf32, #tpu.memory_space<hbm>>
        %dma_start3A_427 = tpu.memref_squeeze %dma_start3A_426 : memref<1x32xf32, #tpu.memory_space<hbm>> -> memref<32xf32, #tpu.memory_space<hbm>>
        %dma_start3A_428 = arith.constant 0 : i32
        %dma_start3A_429 = tpu.memref_slice %arg10[%add3A_421, %dma_start3A_428] : memref<256x32xf32, #tpu.memory_space<vmem>> -> memref<1x32xf32, #tpu.memory_space<vmem>>
        %dma_start3A_430 = tpu.memref_squeeze %dma_start3A_429 : memref<1x32xf32, #tpu.memory_space<vmem>> -> memref<32xf32, #tpu.memory_space<vmem>>
        %dma_start3A_431 = arith.constant 0 : i32
        %dma_start3A_432 = tpu.memref_slice %arg5[%squeeze3A_417, %dma_start3A_431] : memref<1000000x32xf32, #tpu.memory_space<hbm>> -> memref<1x32xf32, #tpu.memory_space<hbm>>
        %dma_start3A_433 = tpu.memref_squeeze %dma_start3A_432 : memref<1x32xf32, #tpu.memory_space<hbm>> -> memref<32xf32, #tpu.memory_space<hbm>>
        tpu.enqueue_dma source(%dma_start3A_433 : memref<32xf32, #tpu.memory_space<hbm>>) target(%dma_start3A_430 : memref<32xf32, #tpu.memory_space<vmem>>) target_semaphore(%arg12 : memref<!tpu.dma_semaphore, #tpu.memory_space<semaphore_mem>>)
        %slice3A_434 = vector.extract_strided_slice %get3A_35 {offsets = [11], sizes = [1], strides = [1]} : vector<16xi32> to vector<1xi32>
        %squeeze3A_435 = vector.extract %slice3A_434[0] : i32 from vector<1xi32>
        %mul3A_436 = arith.constant 16 : i32
        %mul3A_437 = arith.muli %scan3A_31, %mul3A_436 : i32
        %add3A_438 = arith.constant 11 : i32
        %add3A_439 = arith.addi %mul3A_437, %add3A_438 : i32
        %dma_start3A_440 = arith.constant 0 : i32
        %dma_start3A_441 = tpu.memref_slice %arg9[%add3A_439, %dma_start3A_440] : memref<256x32xf32, #tpu.memory_space<vmem>> -> memref<1x32xf32, #tpu.memory_space<vmem>>
        %dma_start3A_442 = tpu.memref_squeeze %dma_start3A_441 : memref<1x32xf32, #tpu.memory_space<vmem>> -> memref<32xf32, #tpu.memory_space<vmem>>
        %dma_start3A_443 = arith.constant 0 : i32
        %dma_start3A_444 = tpu.memref_slice %arg4[%squeeze3A_435, %dma_start3A_443] : memref<1000000x32xf32, #tpu.memory_space<hbm>> -> memref<1x32xf32, #tpu.memory_space<hbm>>
        %dma_start3A_445 = tpu.memref_squeeze %dma_start3A_444 : memref<1x32xf32, #tpu.memory_space<hbm>> -> memref<32xf32, #tpu.memory_space<hbm>>
        %dma_start3A_446 = arith.constant 0 : i32
        %dma_start3A_447 = tpu.memref_slice %arg9[%add3A_439, %dma_start3A_446] : memref<256x32xf32, #tpu.memory_space<vmem>> -> memref<1x32xf32, #tpu.memory_space<vmem>>
        %dma_start3A_448 = tpu.memref_squeeze %dma_start3A_447 : memref<1x32xf32, #tpu.memory_space<vmem>> -> memref<32xf32, #tpu.memory_space<vmem>>
        %dma_start3A_449 = arith.constant 0 : i32
        %dma_start3A_450 = tpu.memref_slice %arg4[%squeeze3A_435, %dma_start3A_449] : memref<1000000x32xf32, #tpu.memory_space<hbm>> -> memref<1x32xf32, #tpu.memory_space<hbm>>
        %dma_start3A_451 = tpu.memref_squeeze %dma_start3A_450 : memref<1x32xf32, #tpu.memory_space<hbm>> -> memref<32xf32, #tpu.memory_space<hbm>>
        tpu.enqueue_dma source(%dma_start3A_451 : memref<32xf32, #tpu.memory_space<hbm>>) target(%dma_start3A_448 : memref<32xf32, #tpu.memory_space<vmem>>) target_semaphore(%arg12 : memref<!tpu.dma_semaphore, #tpu.memory_space<semaphore_mem>>)
        %slice3A_452 = vector.extract_strided_slice %get3A_40 {offsets = [11], sizes = [1], strides = [1]} : vector<16xi32> to vector<1xi32>
        %squeeze3A_453 = vector.extract %slice3A_452[0] : i32 from vector<1xi32>
        %mul3A_454 = arith.constant 16 : i32
        %mul3A_455 = arith.muli %scan3A_31, %mul3A_454 : i32
        %add3A_456 = arith.constant 11 : i32
        %add3A_457 = arith.addi %mul3A_455, %add3A_456 : i32
        %dma_start3A_458 = arith.constant 0 : i32
        %dma_start3A_459 = tpu.memref_slice %arg10[%add3A_457, %dma_start3A_458] : memref<256x32xf32, #tpu.memory_space<vmem>> -> memref<1x32xf32, #tpu.memory_space<vmem>>
        %dma_start3A_460 = tpu.memref_squeeze %dma_start3A_459 : memref<1x32xf32, #tpu.memory_space<vmem>> -> memref<32xf32, #tpu.memory_space<vmem>>
        %dma_start3A_461 = arith.constant 0 : i32
        %dma_start3A_462 = tpu.memref_slice %arg5[%squeeze3A_453, %dma_start3A_461] : memref<1000000x32xf32, #tpu.memory_space<hbm>> -> memref<1x32xf32, #tpu.memory_space<hbm>>
        %dma_start3A_463 = tpu.memref_squeeze %dma_start3A_462 : memref<1x32xf32, #tpu.memory_space<hbm>> -> memref<32xf32, #tpu.memory_space<hbm>>
        %dma_start3A_464 = arith.constant 0 : i32
        %dma_start3A_465 = tpu.memref_slice %arg10[%add3A_457, %dma_start3A_464] : memref<256x32xf32, #tpu.memory_space<vmem>> -> memref<1x32xf32, #tpu.memory_space<vmem>>
        %dma_start3A_466 = tpu.memref_squeeze %dma_start3A_465 : memref<1x32xf32, #tpu.memory_space<vmem>> -> memref<32xf32, #tpu.memory_space<vmem>>
        %dma_start3A_467 = arith.constant 0 : i32
        %dma_start3A_468 = tpu.memref_slice %arg5[%squeeze3A_453, %dma_start3A_467] : memref<1000000x32xf32, #tpu.memory_space<hbm>> -> memref<1x32xf32, #tpu.memory_space<hbm>>
        %dma_start3A_469 = tpu.memref_squeeze %dma_start3A_468 : memref<1x32xf32, #tpu.memory_space<hbm>> -> memref<32xf32, #tpu.memory_space<hbm>>
        tpu.enqueue_dma source(%dma_start3A_469 : memref<32xf32, #tpu.memory_space<hbm>>) target(%dma_start3A_466 : memref<32xf32, #tpu.memory_space<vmem>>) target_semaphore(%arg12 : memref<!tpu.dma_semaphore, #tpu.memory_space<semaphore_mem>>)
        %slice3A_470 = vector.extract_strided_slice %get3A_35 {offsets = [12], sizes = [1], strides = [1]} : vector<16xi32> to vector<1xi32>
        %squeeze3A_471 = vector.extract %slice3A_470[0] : i32 from vector<1xi32>
        %mul3A_472 = arith.constant 16 : i32
        %mul3A_473 = arith.muli %scan3A_31, %mul3A_472 : i32
        %add3A_474 = arith.constant 12 : i32
        %add3A_475 = arith.addi %mul3A_473, %add3A_474 : i32
        %dma_start3A_476 = arith.constant 0 : i32
        %dma_start3A_477 = tpu.memref_slice %arg9[%add3A_475, %dma_start3A_476] : memref<256x32xf32, #tpu.memory_space<vmem>> -> memref<1x32xf32, #tpu.memory_space<vmem>>
        %dma_start3A_478 = tpu.memref_squeeze %dma_start3A_477 : memref<1x32xf32, #tpu.memory_space<vmem>> -> memref<32xf32, #tpu.memory_space<vmem>>
        %dma_start3A_479 = arith.constant 0 : i32
        %dma_start3A_480 = tpu.memref_slice %arg4[%squeeze3A_471, %dma_start3A_479] : memref<1000000x32xf32, #tpu.memory_space<hbm>> -> memref<1x32xf32, #tpu.memory_space<hbm>>
        %dma_start3A_481 = tpu.memref_squeeze %dma_start3A_480 : memref<1x32xf32, #tpu.memory_space<hbm>> -> memref<32xf32, #tpu.memory_space<hbm>>
        %dma_start3A_482 = arith.constant 0 : i32
        %dma_start3A_483 = tpu.memref_slice %arg9[%add3A_475, %dma_start3A_482] : memref<256x32xf32, #tpu.memory_space<vmem>> -> memref<1x32xf32, #tpu.memory_space<vmem>>
        %dma_start3A_484 = tpu.memref_squeeze %dma_start3A_483 : memref<1x32xf32, #tpu.memory_space<vmem>> -> memref<32xf32, #tpu.memory_space<vmem>>
        %dma_start3A_485 = arith.constant 0 : i32
        %dma_start3A_486 = tpu.memref_slice %arg4[%squeeze3A_471, %dma_start3A_485] : memref<1000000x32xf32, #tpu.memory_space<hbm>> -> memref<1x32xf32, #tpu.memory_space<hbm>>
        %dma_start3A_487 = tpu.memref_squeeze %dma_start3A_486 : memref<1x32xf32, #tpu.memory_space<hbm>> -> memref<32xf32, #tpu.memory_space<hbm>>
        tpu.enqueue_dma source(%dma_start3A_487 : memref<32xf32, #tpu.memory_space<hbm>>) target(%dma_start3A_484 : memref<32xf32, #tpu.memory_space<vmem>>) target_semaphore(%arg12 : memref<!tpu.dma_semaphore, #tpu.memory_space<semaphore_mem>>)
        %slice3A_488 = vector.extract_strided_slice %get3A_40 {offsets = [12], sizes = [1], strides = [1]} : vector<16xi32> to vector<1xi32>
        %squeeze3A_489 = vector.extract %slice3A_488[0] : i32 from vector<1xi32>
        %mul3A_490 = arith.constant 16 : i32
        %mul3A_491 = arith.muli %scan3A_31, %mul3A_490 : i32
        %add3A_492 = arith.constant 12 : i32
        %add3A_493 = arith.addi %mul3A_491, %add3A_492 : i32
        %dma_start3A_494 = arith.constant 0 : i32
        %dma_start3A_495 = tpu.memref_slice %arg10[%add3A_493, %dma_start3A_494] : memref<256x32xf32, #tpu.memory_space<vmem>> -> memref<1x32xf32, #tpu.memory_space<vmem>>
        %dma_start3A_496 = tpu.memref_squeeze %dma_start3A_495 : memref<1x32xf32, #tpu.memory_space<vmem>> -> memref<32xf32, #tpu.memory_space<vmem>>
        %dma_start3A_497 = arith.constant 0 : i32
        %dma_start3A_498 = tpu.memref_slice %arg5[%squeeze3A_489, %dma_start3A_497] : memref<1000000x32xf32, #tpu.memory_space<hbm>> -> memref<1x32xf32, #tpu.memory_space<hbm>>
        %dma_start3A_499 = tpu.memref_squeeze %dma_start3A_498 : memref<1x32xf32, #tpu.memory_space<hbm>> -> memref<32xf32, #tpu.memory_space<hbm>>
        %dma_start3A_500 = arith.constant 0 : i32
        %dma_start3A_501 = tpu.memref_slice %arg10[%add3A_493, %dma_start3A_500] : memref<256x32xf32, #tpu.memory_space<vmem>> -> memref<1x32xf32, #tpu.memory_space<vmem>>
        %dma_start3A_502 = tpu.memref_squeeze %dma_start3A_501 : memref<1x32xf32, #tpu.memory_space<vmem>> -> memref<32xf32, #tpu.memory_space<vmem>>
        %dma_start3A_503 = arith.constant 0 : i32
        %dma_start3A_504 = tpu.memref_slice %arg5[%squeeze3A_489, %dma_start3A_503] : memref<1000000x32xf32, #tpu.memory_space<hbm>> -> memref<1x32xf32, #tpu.memory_space<hbm>>
        %dma_start3A_505 = tpu.memref_squeeze %dma_start3A_504 : memref<1x32xf32, #tpu.memory_space<hbm>> -> memref<32xf32, #tpu.memory_space<hbm>>
        tpu.enqueue_dma source(%dma_start3A_505 : memref<32xf32, #tpu.memory_space<hbm>>) target(%dma_start3A_502 : memref<32xf32, #tpu.memory_space<vmem>>) target_semaphore(%arg12 : memref<!tpu.dma_semaphore, #tpu.memory_space<semaphore_mem>>)
        %slice3A_506 = vector.extract_strided_slice %get3A_35 {offsets = [13], sizes = [1], strides = [1]} : vector<16xi32> to vector<1xi32>
        %squeeze3A_507 = vector.extract %slice3A_506[0] : i32 from vector<1xi32>
        %mul3A_508 = arith.constant 16 : i32
        %mul3A_509 = arith.muli %scan3A_31, %mul3A_508 : i32
        %add3A_510 = arith.constant 13 : i32
        %add3A_511 = arith.addi %mul3A_509, %add3A_510 : i32
        %dma_start3A_512 = arith.constant 0 : i32
        %dma_start3A_513 = tpu.memref_slice %arg9[%add3A_511, %dma_start3A_512] : memref<256x32xf32, #tpu.memory_space<vmem>> -> memref<1x32xf32, #tpu.memory_space<vmem>>
        %dma_start3A_514 = tpu.memref_squeeze %dma_start3A_513 : memref<1x32xf32, #tpu.memory_space<vmem>> -> memref<32xf32, #tpu.memory_space<vmem>>
        %dma_start3A_515 = arith.constant 0 : i32
        %dma_start3A_516 = tpu.memref_slice %arg4[%squeeze3A_507, %dma_start3A_515] : memref<1000000x32xf32, #tpu.memory_space<hbm>> -> memref<1x32xf32, #tpu.memory_space<hbm>>
        %dma_start3A_517 = tpu.memref_squeeze %dma_start3A_516 : memref<1x32xf32, #tpu.memory_space<hbm>> -> memref<32xf32, #tpu.memory_space<hbm>>
        %dma_start3A_518 = arith.constant 0 : i32
        %dma_start3A_519 = tpu.memref_slice %arg9[%add3A_511, %dma_start3A_518] : memref<256x32xf32, #tpu.memory_space<vmem>> -> memref<1x32xf32, #tpu.memory_space<vmem>>
        %dma_start3A_520 = tpu.memref_squeeze %dma_start3A_519 : memref<1x32xf32, #tpu.memory_space<vmem>> -> memref<32xf32, #tpu.memory_space<vmem>>
        %dma_start3A_521 = arith.constant 0 : i32
        %dma_start3A_522 = tpu.memref_slice %arg4[%squeeze3A_507, %dma_start3A_521] : memref<1000000x32xf32, #tpu.memory_space<hbm>> -> memref<1x32xf32, #tpu.memory_space<hbm>>
        %dma_start3A_523 = tpu.memref_squeeze %dma_start3A_522 : memref<1x32xf32, #tpu.memory_space<hbm>> -> memref<32xf32, #tpu.memory_space<hbm>>
        tpu.enqueue_dma source(%dma_start3A_523 : memref<32xf32, #tpu.memory_space<hbm>>) target(%dma_start3A_520 : memref<32xf32, #tpu.memory_space<vmem>>) target_semaphore(%arg12 : memref<!tpu.dma_semaphore, #tpu.memory_space<semaphore_mem>>)
        %slice3A_524 = vector.extract_strided_slice %get3A_40 {offsets = [13], sizes = [1], strides = [1]} : vector<16xi32> to vector<1xi32>
        %squeeze3A_525 = vector.extract %slice3A_524[0] : i32 from vector<1xi32>
        %mul3A_526 = arith.constant 16 : i32
        %mul3A_527 = arith.muli %scan3A_31, %mul3A_526 : i32
        %add3A_528 = arith.constant 13 : i32
        %add3A_529 = arith.addi %mul3A_527, %add3A_528 : i32
        %dma_start3A_530 = arith.constant 0 : i32
        %dma_start3A_531 = tpu.memref_slice %arg10[%add3A_529, %dma_start3A_530] : memref<256x32xf32, #tpu.memory_space<vmem>> -> memref<1x32xf32, #tpu.memory_space<vmem>>
        %dma_start3A_532 = tpu.memref_squeeze %dma_start3A_531 : memref<1x32xf32, #tpu.memory_space<vmem>> -> memref<32xf32, #tpu.memory_space<vmem>>
        %dma_start3A_533 = arith.constant 0 : i32
        %dma_start3A_534 = tpu.memref_slice %arg5[%squeeze3A_525, %dma_start3A_533] : memref<1000000x32xf32, #tpu.memory_space<hbm>> -> memref<1x32xf32, #tpu.memory_space<hbm>>
        %dma_start3A_535 = tpu.memref_squeeze %dma_start3A_534 : memref<1x32xf32, #tpu.memory_space<hbm>> -> memref<32xf32, #tpu.memory_space<hbm>>
        %dma_start3A_536 = arith.constant 0 : i32
        %dma_start3A_537 = tpu.memref_slice %arg10[%add3A_529, %dma_start3A_536] : memref<256x32xf32, #tpu.memory_space<vmem>> -> memref<1x32xf32, #tpu.memory_space<vmem>>
        %dma_start3A_538 = tpu.memref_squeeze %dma_start3A_537 : memref<1x32xf32, #tpu.memory_space<vmem>> -> memref<32xf32, #tpu.memory_space<vmem>>
        %dma_start3A_539 = arith.constant 0 : i32
        %dma_start3A_540 = tpu.memref_slice %arg5[%squeeze3A_525, %dma_start3A_539] : memref<1000000x32xf32, #tpu.memory_space<hbm>> -> memref<1x32xf32, #tpu.memory_space<hbm>>
        %dma_start3A_541 = tpu.memref_squeeze %dma_start3A_540 : memref<1x32xf32, #tpu.memory_space<hbm>> -> memref<32xf32, #tpu.memory_space<hbm>>
        tpu.enqueue_dma source(%dma_start3A_541 : memref<32xf32, #tpu.memory_space<hbm>>) target(%dma_start3A_538 : memref<32xf32, #tpu.memory_space<vmem>>) target_semaphore(%arg12 : memref<!tpu.dma_semaphore, #tpu.memory_space<semaphore_mem>>)
        %slice3A_542 = vector.extract_strided_slice %get3A_35 {offsets = [14], sizes = [1], strides = [1]} : vector<16xi32> to vector<1xi32>
        %squeeze3A_543 = vector.extract %slice3A_542[0] : i32 from vector<1xi32>
        %mul3A_544 = arith.constant 16 : i32
        %mul3A_545 = arith.muli %scan3A_31, %mul3A_544 : i32
        %add3A_546 = arith.constant 14 : i32
        %add3A_547 = arith.addi %mul3A_545, %add3A_546 : i32
        %dma_start3A_548 = arith.constant 0 : i32
        %dma_start3A_549 = tpu.memref_slice %arg9[%add3A_547, %dma_start3A_548] : memref<256x32xf32, #tpu.memory_space<vmem>> -> memref<1x32xf32, #tpu.memory_space<vmem>>
        %dma_start3A_550 = tpu.memref_squeeze %dma_start3A_549 : memref<1x32xf32, #tpu.memory_space<vmem>> -> memref<32xf32, #tpu.memory_space<vmem>>
        %dma_start3A_551 = arith.constant 0 : i32
        %dma_start3A_552 = tpu.memref_slice %arg4[%squeeze3A_543, %dma_start3A_551] : memref<1000000x32xf32, #tpu.memory_space<hbm>> -> memref<1x32xf32, #tpu.memory_space<hbm>>
        %dma_start3A_553 = tpu.memref_squeeze %dma_start3A_552 : memref<1x32xf32, #tpu.memory_space<hbm>> -> memref<32xf32, #tpu.memory_space<hbm>>
        %dma_start3A_554 = arith.constant 0 : i32
        %dma_start3A_555 = tpu.memref_slice %arg9[%add3A_547, %dma_start3A_554] : memref<256x32xf32, #tpu.memory_space<vmem>> -> memref<1x32xf32, #tpu.memory_space<vmem>>
        %dma_start3A_556 = tpu.memref_squeeze %dma_start3A_555 : memref<1x32xf32, #tpu.memory_space<vmem>> -> memref<32xf32, #tpu.memory_space<vmem>>
        %dma_start3A_557 = arith.constant 0 : i32
        %dma_start3A_558 = tpu.memref_slice %arg4[%squeeze3A_543, %dma_start3A_557] : memref<1000000x32xf32, #tpu.memory_space<hbm>> -> memref<1x32xf32, #tpu.memory_space<hbm>>
        %dma_start3A_559 = tpu.memref_squeeze %dma_start3A_558 : memref<1x32xf32, #tpu.memory_space<hbm>> -> memref<32xf32, #tpu.memory_space<hbm>>
        tpu.enqueue_dma source(%dma_start3A_559 : memref<32xf32, #tpu.memory_space<hbm>>) target(%dma_start3A_556 : memref<32xf32, #tpu.memory_space<vmem>>) target_semaphore(%arg12 : memref<!tpu.dma_semaphore, #tpu.memory_space<semaphore_mem>>)
        %slice3A_560 = vector.extract_strided_slice %get3A_40 {offsets = [14], sizes = [1], strides = [1]} : vector<16xi32> to vector<1xi32>
        %squeeze3A_561 = vector.extract %slice3A_560[0] : i32 from vector<1xi32>
        %mul3A_562 = arith.constant 16 : i32
        %mul3A_563 = arith.muli %scan3A_31, %mul3A_562 : i32
        %add3A_564 = arith.constant 14 : i32
        %add3A_565 = arith.addi %mul3A_563, %add3A_564 : i32
        %dma_start3A_566 = arith.constant 0 : i32
        %dma_start3A_567 = tpu.memref_slice %arg10[%add3A_565, %dma_start3A_566] : memref<256x32xf32, #tpu.memory_space<vmem>> -> memref<1x32xf32, #tpu.memory_space<vmem>>
        %dma_start3A_568 = tpu.memref_squeeze %dma_start3A_567 : memref<1x32xf32, #tpu.memory_space<vmem>> -> memref<32xf32, #tpu.memory_space<vmem>>
        %dma_start3A_569 = arith.constant 0 : i32
        %dma_start3A_570 = tpu.memref_slice %arg5[%squeeze3A_561, %dma_start3A_569] : memref<1000000x32xf32, #tpu.memory_space<hbm>> -> memref<1x32xf32, #tpu.memory_space<hbm>>
        %dma_start3A_571 = tpu.memref_squeeze %dma_start3A_570 : memref<1x32xf32, #tpu.memory_space<hbm>> -> memref<32xf32, #tpu.memory_space<hbm>>
        %dma_start3A_572 = arith.constant 0 : i32
        %dma_start3A_573 = tpu.memref_slice %arg10[%add3A_565, %dma_start3A_572] : memref<256x32xf32, #tpu.memory_space<vmem>> -> memref<1x32xf32, #tpu.memory_space<vmem>>
        %dma_start3A_574 = tpu.memref_squeeze %dma_start3A_573 : memref<1x32xf32, #tpu.memory_space<vmem>> -> memref<32xf32, #tpu.memory_space<vmem>>
        %dma_start3A_575 = arith.constant 0 : i32
        %dma_start3A_576 = tpu.memref_slice %arg5[%squeeze3A_561, %dma_start3A_575] : memref<1000000x32xf32, #tpu.memory_space<hbm>> -> memref<1x32xf32, #tpu.memory_space<hbm>>
        %dma_start3A_577 = tpu.memref_squeeze %dma_start3A_576 : memref<1x32xf32, #tpu.memory_space<hbm>> -> memref<32xf32, #tpu.memory_space<hbm>>
        tpu.enqueue_dma source(%dma_start3A_577 : memref<32xf32, #tpu.memory_space<hbm>>) target(%dma_start3A_574 : memref<32xf32, #tpu.memory_space<vmem>>) target_semaphore(%arg12 : memref<!tpu.dma_semaphore, #tpu.memory_space<semaphore_mem>>)
        %slice3A_578 = vector.extract_strided_slice %get3A_35 {offsets = [15], sizes = [1], strides = [1]} : vector<16xi32> to vector<1xi32>
        %squeeze3A_579 = vector.extract %slice3A_578[0] : i32 from vector<1xi32>
        %mul3A_580 = arith.constant 16 : i32
        %mul3A_581 = arith.muli %scan3A_31, %mul3A_580 : i32
        %add3A_582 = arith.constant 15 : i32
        %add3A_583 = arith.addi %mul3A_581, %add3A_582 : i32
        %dma_start3A_584 = arith.constant 0 : i32
        %dma_start3A_585 = tpu.memref_slice %arg9[%add3A_583, %dma_start3A_584] : memref<256x32xf32, #tpu.memory_space<vmem>> -> memref<1x32xf32, #tpu.memory_space<vmem>>
        %dma_start3A_586 = tpu.memref_squeeze %dma_start3A_585 : memref<1x32xf32, #tpu.memory_space<vmem>> -> memref<32xf32, #tpu.memory_space<vmem>>
        %dma_start3A_587 = arith.constant 0 : i32
        %dma_start3A_588 = tpu.memref_slice %arg4[%squeeze3A_579, %dma_start3A_587] : memref<1000000x32xf32, #tpu.memory_space<hbm>> -> memref<1x32xf32, #tpu.memory_space<hbm>>
        %dma_start3A_589 = tpu.memref_squeeze %dma_start3A_588 : memref<1x32xf32, #tpu.memory_space<hbm>> -> memref<32xf32, #tpu.memory_space<hbm>>
        %dma_start3A_590 = arith.constant 0 : i32
        %dma_start3A_591 = tpu.memref_slice %arg9[%add3A_583, %dma_start3A_590] : memref<256x32xf32, #tpu.memory_space<vmem>> -> memref<1x32xf32, #tpu.memory_space<vmem>>
        %dma_start3A_592 = tpu.memref_squeeze %dma_start3A_591 : memref<1x32xf32, #tpu.memory_space<vmem>> -> memref<32xf32, #tpu.memory_space<vmem>>
        %dma_start3A_593 = arith.constant 0 : i32
        %dma_start3A_594 = tpu.memref_slice %arg4[%squeeze3A_579, %dma_start3A_593] : memref<1000000x32xf32, #tpu.memory_space<hbm>> -> memref<1x32xf32, #tpu.memory_space<hbm>>
        %dma_start3A_595 = tpu.memref_squeeze %dma_start3A_594 : memref<1x32xf32, #tpu.memory_space<hbm>> -> memref<32xf32, #tpu.memory_space<hbm>>
        tpu.enqueue_dma source(%dma_start3A_595 : memref<32xf32, #tpu.memory_space<hbm>>) target(%dma_start3A_592 : memref<32xf32, #tpu.memory_space<vmem>>) target_semaphore(%arg12 : memref<!tpu.dma_semaphore, #tpu.memory_space<semaphore_mem>>)
        %slice3A_596 = vector.extract_strided_slice %get3A_40 {offsets = [15], sizes = [1], strides = [1]} : vector<16xi32> to vector<1xi32>
        %squeeze3A_597 = vector.extract %slice3A_596[0] : i32 from vector<1xi32>
        %mul3A_598 = arith.constant 16 : i32
        %mul3A_599 = arith.muli %scan3A_31, %mul3A_598 : i32
        %add3A_600 = arith.constant 15 : i32
        %add3A_601 = arith.addi %mul3A_599, %add3A_600 : i32
        %dma_start3A_602 = arith.constant 0 : i32
        %dma_start3A_603 = tpu.memref_slice %arg10[%add3A_601, %dma_start3A_602] : memref<256x32xf32, #tpu.memory_space<vmem>> -> memref<1x32xf32, #tpu.memory_space<vmem>>
        %dma_start3A_604 = tpu.memref_squeeze %dma_start3A_603 : memref<1x32xf32, #tpu.memory_space<vmem>> -> memref<32xf32, #tpu.memory_space<vmem>>
        %dma_start3A_605 = arith.constant 0 : i32
        %dma_start3A_606 = tpu.memref_slice %arg5[%squeeze3A_597, %dma_start3A_605] : memref<1000000x32xf32, #tpu.memory_space<hbm>> -> memref<1x32xf32, #tpu.memory_space<hbm>>
        %dma_start3A_607 = tpu.memref_squeeze %dma_start3A_606 : memref<1x32xf32, #tpu.memory_space<hbm>> -> memref<32xf32, #tpu.memory_space<hbm>>
        %dma_start3A_608 = arith.constant 0 : i32
        %dma_start3A_609 = tpu.memref_slice %arg10[%add3A_601, %dma_start3A_608] : memref<256x32xf32, #tpu.memory_space<vmem>> -> memref<1x32xf32, #tpu.memory_space<vmem>>
        %dma_start3A_610 = tpu.memref_squeeze %dma_start3A_609 : memref<1x32xf32, #tpu.memory_space<vmem>> -> memref<32xf32, #tpu.memory_space<vmem>>
        %dma_start3A_611 = arith.constant 0 : i32
        %dma_start3A_612 = tpu.memref_slice %arg5[%squeeze3A_597, %dma_start3A_611] : memref<1000000x32xf32, #tpu.memory_space<hbm>> -> memref<1x32xf32, #tpu.memory_space<hbm>>
        %dma_start3A_613 = tpu.memref_squeeze %dma_start3A_612 : memref<1x32xf32, #tpu.memory_space<hbm>> -> memref<32xf32, #tpu.memory_space<hbm>>
        tpu.enqueue_dma source(%dma_start3A_613 : memref<32xf32, #tpu.memory_space<hbm>>) target(%dma_start3A_610 : memref<32xf32, #tpu.memory_space<vmem>>) target_semaphore(%arg12 : memref<!tpu.dma_semaphore, #tpu.memory_space<semaphore_mem>>)
      }
      %scan3A_14 = arith.constant 16 : i32
      %dma_wait3A = arith.constant 0 : i32
      %dma_wait3A_15 = arith.constant 0 : i32
      %dma_wait3A_16 = tpu.memref_slice %arg4[%dma_wait3A, %dma_wait3A_15] : memref<1000000x32xf32, #tpu.memory_space<hbm>> -> memref<256x32xf32, #tpu.memory_space<hbm>>
      %dma_wait3A_17 = arith.constant 0 : i32
      %dma_wait3A_18 = arith.constant 0 : i32
      %dma_wait3A_19 = tpu.memref_slice %arg4[%dma_wait3A_17, %dma_wait3A_18] : memref<1000000x32xf32, #tpu.memory_space<hbm>> -> memref<256x32xf32, #tpu.memory_space<hbm>>
      tpu.wait_dma2 semaphore(%arg12 : memref<!tpu.dma_semaphore, #tpu.memory_space<semaphore_mem>>) src(%dma_wait3A_19 : memref<256x32xf32, #tpu.memory_space<hbm>>) dst(%arg9 : memref<256x32xf32, #tpu.memory_space<vmem>>)
      %dma_wait3A_20 = arith.constant 0 : i32
      %dma_wait3A_21 = arith.constant 0 : i32
      %dma_wait3A_22 = tpu.memref_slice %arg5[%dma_wait3A_20, %dma_wait3A_21] : memref<1000000x32xf32, #tpu.memory_space<hbm>> -> memref<256x32xf32, #tpu.memory_space<hbm>>
      %dma_wait3A_23 = arith.constant 0 : i32
      %dma_wait3A_24 = arith.constant 0 : i32
      %dma_wait3A_25 = tpu.memref_slice %arg5[%dma_wait3A_23, %dma_wait3A_24] : memref<1000000x32xf32, #tpu.memory_space<hbm>> -> memref<256x32xf32, #tpu.memory_space<hbm>>
      tpu.wait_dma2 semaphore(%arg12 : memref<!tpu.dma_semaphore, #tpu.memory_space<semaphore_mem>>) src(%dma_wait3A_25 : memref<256x32xf32, #tpu.memory_space<hbm>>) dst(%arg10 : memref<256x32xf32, #tpu.memory_space<vmem>>)
      %scan3A_26 = arith.constant 0 : i32
      %scan3A_27 = arith.constant 16 : i32
      %scan3A_28 = arith.addi %scan3A_26, %scan3A_27 : i32
      %scan3A_29 = arith.constant 1 : i32
      scf.for %scan3A_31 = %scan3A_26 to %scan3A_28 step %scan3A_29  : i32 {
        %mul3A_32 = arith.constant 16 : i32
        %mul3A_33 = arith.muli %scan3A_31, %mul3A_32 : i32
        %add3A_34 = vector.broadcast %mul3A_33 : i32 to vector<16xi32>
        %add3A_35 = arith.addi %add3A_34, %iota3A : vector<16xi32>
        %broadcast_in_dim3A = arith.constant 0 : i32
        %broadcast_in_dim3A_36 = vector.broadcast %broadcast_in_dim3A : i32 to vector<16xi32>
        %gather3A = tpu.vector_load_idx %arg9[%add3A_35, %broadcast_in_dim3A_36] : memref<256x32xf32, #tpu.memory_space<vmem>>[vector<16xi32>, vector<16xi32>], vector<16xf32>,
        %gather3A_37 = tpu.vector_load_idx %arg10[%add3A_35, %broadcast_in_dim3A_36] : memref<256x32xf32, #tpu.memory_space<vmem>>[vector<16xi32>, vector<16xi32>], vector<16xf32>,
        %mul3A_38 = arith.mulf %gather3A, %gather3A_37 : vector<16xf32>
        %broadcast_in_dim3A_39 = arith.constant 1 : i32
        %broadcast_in_dim3A_40 = vector.broadcast %broadcast_in_dim3A_39 : i32 to vector<16xi32>
        %gather3A_41 = tpu.vector_load_idx %arg9[%add3A_35, %broadcast_in_dim3A_40] : memref<256x32xf32, #tpu.memory_space<vmem>>[vector<16xi32>, vector<16xi32>], vector<16xf32>,
        %gather3A_42 = tpu.vector_load_idx %arg10[%add3A_35, %broadcast_in_dim3A_40] : memref<256x32xf32, #tpu.memory_space<vmem>>[vector<16xi32>, vector<16xi32>], vector<16xf32>,
        %mul3A_43 = arith.mulf %gather3A_41, %gather3A_42 : vector<16xf32>
        %add3A_44 = arith.addf %mul3A_38, %mul3A_43 : vector<16xf32>
        %broadcast_in_dim3A_45 = arith.constant 2 : i32
        %broadcast_in_dim3A_46 = vector.broadcast %broadcast_in_dim3A_45 : i32 to vector<16xi32>
        %gather3A_47 = tpu.vector_load_idx %arg9[%add3A_35, %broadcast_in_dim3A_46] : memref<256x32xf32, #tpu.memory_space<vmem>>[vector<16xi32>, vector<16xi32>], vector<16xf32>,
        %gather3A_48 = tpu.vector_load_idx %arg10[%add3A_35, %broadcast_in_dim3A_46] : memref<256x32xf32, #tpu.memory_space<vmem>>[vector<16xi32>, vector<16xi32>], vector<16xf32>,
        %mul3A_49 = arith.mulf %gather3A_47, %gather3A_48 : vector<16xf32>
        %add3A_50 = arith.addf %add3A_44, %mul3A_49 : vector<16xf32>
        %broadcast_in_dim3A_51 = arith.constant 3 : i32
        %broadcast_in_dim3A_52 = vector.broadcast %broadcast_in_dim3A_51 : i32 to vector<16xi32>
        %gather3A_53 = tpu.vector_load_idx %arg9[%add3A_35, %broadcast_in_dim3A_52] : memref<256x32xf32, #tpu.memory_space<vmem>>[vector<16xi32>, vector<16xi32>], vector<16xf32>,
        %gather3A_54 = tpu.vector_load_idx %arg10[%add3A_35, %broadcast_in_dim3A_52] : memref<256x32xf32, #tpu.memory_space<vmem>>[vector<16xi32>, vector<16xi32>], vector<16xf32>,
        %mul3A_55 = arith.mulf %gather3A_53, %gather3A_54 : vector<16xf32>
        %add3A_56 = arith.addf %add3A_50, %mul3A_55 : vector<16xf32>
        %broadcast_in_dim3A_57 = arith.constant 4 : i32
        %broadcast_in_dim3A_58 = vector.broadcast %broadcast_in_dim3A_57 : i32 to vector<16xi32>
        %gather3A_59 = tpu.vector_load_idx %arg9[%add3A_35, %broadcast_in_dim3A_58] : memref<256x32xf32, #tpu.memory_space<vmem>>[vector<16xi32>, vector<16xi32>], vector<16xf32>,
        %gather3A_60 = tpu.vector_load_idx %arg10[%add3A_35, %broadcast_in_dim3A_58] : memref<256x32xf32, #tpu.memory_space<vmem>>[vector<16xi32>, vector<16xi32>], vector<16xf32>,
        %mul3A_61 = arith.mulf %gather3A_59, %gather3A_60 : vector<16xf32>
        %add3A_62 = arith.addf %add3A_56, %mul3A_61 : vector<16xf32>
        %broadcast_in_dim3A_63 = arith.constant 5 : i32
        %broadcast_in_dim3A_64 = vector.broadcast %broadcast_in_dim3A_63 : i32 to vector<16xi32>
        %gather3A_65 = tpu.vector_load_idx %arg9[%add3A_35, %broadcast_in_dim3A_64] : memref<256x32xf32, #tpu.memory_space<vmem>>[vector<16xi32>, vector<16xi32>], vector<16xf32>,
        %gather3A_66 = tpu.vector_load_idx %arg10[%add3A_35, %broadcast_in_dim3A_64] : memref<256x32xf32, #tpu.memory_space<vmem>>[vector<16xi32>, vector<16xi32>], vector<16xf32>,
        %mul3A_67 = arith.mulf %gather3A_65, %gather3A_66 : vector<16xf32>
        %add3A_68 = arith.addf %add3A_62, %mul3A_67 : vector<16xf32>
        %broadcast_in_dim3A_69 = arith.constant 6 : i32
        %broadcast_in_dim3A_70 = vector.broadcast %broadcast_in_dim3A_69 : i32 to vector<16xi32>
        %gather3A_71 = tpu.vector_load_idx %arg9[%add3A_35, %broadcast_in_dim3A_70] : memref<256x32xf32, #tpu.memory_space<vmem>>[vector<16xi32>, vector<16xi32>], vector<16xf32>,
        %gather3A_72 = tpu.vector_load_idx %arg10[%add3A_35, %broadcast_in_dim3A_70] : memref<256x32xf32, #tpu.memory_space<vmem>>[vector<16xi32>, vector<16xi32>], vector<16xf32>,
        %mul3A_73 = arith.mulf %gather3A_71, %gather3A_72 : vector<16xf32>
        %add3A_74 = arith.addf %add3A_68, %mul3A_73 : vector<16xf32>
        %broadcast_in_dim3A_75 = arith.constant 7 : i32
        %broadcast_in_dim3A_76 = vector.broadcast %broadcast_in_dim3A_75 : i32 to vector<16xi32>
        %gather3A_77 = tpu.vector_load_idx %arg9[%add3A_35, %broadcast_in_dim3A_76] : memref<256x32xf32, #tpu.memory_space<vmem>>[vector<16xi32>, vector<16xi32>], vector<16xf32>,
        %gather3A_78 = tpu.vector_load_idx %arg10[%add3A_35, %broadcast_in_dim3A_76] : memref<256x32xf32, #tpu.memory_space<vmem>>[vector<16xi32>, vector<16xi32>], vector<16xf32>,
        %mul3A_79 = arith.mulf %gather3A_77, %gather3A_78 : vector<16xf32>
        %add3A_80 = arith.addf %add3A_74, %mul3A_79 : vector<16xf32>
        %broadcast_in_dim3A_81 = arith.constant 8 : i32
        %broadcast_in_dim3A_82 = vector.broadcast %broadcast_in_dim3A_81 : i32 to vector<16xi32>
        %gather3A_83 = tpu.vector_load_idx %arg9[%add3A_35, %broadcast_in_dim3A_82] : memref<256x32xf32, #tpu.memory_space<vmem>>[vector<16xi32>, vector<16xi32>], vector<16xf32>,
        %gather3A_84 = tpu.vector_load_idx %arg10[%add3A_35, %broadcast_in_dim3A_82] : memref<256x32xf32, #tpu.memory_space<vmem>>[vector<16xi32>, vector<16xi32>], vector<16xf32>,
        %mul3A_85 = arith.mulf %gather3A_83, %gather3A_84 : vector<16xf32>
        %add3A_86 = arith.addf %add3A_80, %mul3A_85 : vector<16xf32>
        %broadcast_in_dim3A_87 = arith.constant 9 : i32
        %broadcast_in_dim3A_88 = vector.broadcast %broadcast_in_dim3A_87 : i32 to vector<16xi32>
        %gather3A_89 = tpu.vector_load_idx %arg9[%add3A_35, %broadcast_in_dim3A_88] : memref<256x32xf32, #tpu.memory_space<vmem>>[vector<16xi32>, vector<16xi32>], vector<16xf32>,
        %gather3A_90 = tpu.vector_load_idx %arg10[%add3A_35, %broadcast_in_dim3A_88] : memref<256x32xf32, #tpu.memory_space<vmem>>[vector<16xi32>, vector<16xi32>], vector<16xf32>,
        %mul3A_91 = arith.mulf %gather3A_89, %gather3A_90 : vector<16xf32>
        %add3A_92 = arith.addf %add3A_86, %mul3A_91 : vector<16xf32>
        %broadcast_in_dim3A_93 = arith.constant 10 : i32
        %broadcast_in_dim3A_94 = vector.broadcast %broadcast_in_dim3A_93 : i32 to vector<16xi32>
        %gather3A_95 = tpu.vector_load_idx %arg9[%add3A_35, %broadcast_in_dim3A_94] : memref<256x32xf32, #tpu.memory_space<vmem>>[vector<16xi32>, vector<16xi32>], vector<16xf32>,
        %gather3A_96 = tpu.vector_load_idx %arg10[%add3A_35, %broadcast_in_dim3A_94] : memref<256x32xf32, #tpu.memory_space<vmem>>[vector<16xi32>, vector<16xi32>], vector<16xf32>,
        %mul3A_97 = arith.mulf %gather3A_95, %gather3A_96 : vector<16xf32>
        %add3A_98 = arith.addf %add3A_92, %mul3A_97 : vector<16xf32>
        %broadcast_in_dim3A_99 = arith.constant 11 : i32
        %broadcast_in_dim3A_100 = vector.broadcast %broadcast_in_dim3A_99 : i32 to vector<16xi32>
        %gather3A_101 = tpu.vector_load_idx %arg9[%add3A_35, %broadcast_in_dim3A_100] : memref<256x32xf32, #tpu.memory_space<vmem>>[vector<16xi32>, vector<16xi32>], vector<16xf32>,
        %gather3A_102 = tpu.vector_load_idx %arg10[%add3A_35, %broadcast_in_dim3A_100] : memref<256x32xf32, #tpu.memory_space<vmem>>[vector<16xi32>, vector<16xi32>], vector<16xf32>,
        %mul3A_103 = arith.mulf %gather3A_101, %gather3A_102 : vector<16xf32>
        %add3A_104 = arith.addf %add3A_98, %mul3A_103 : vector<16xf32>
        %broadcast_in_dim3A_105 = arith.constant 12 : i32
        %broadcast_in_dim3A_106 = vector.broadcast %broadcast_in_dim3A_105 : i32 to vector<16xi32>
        %gather3A_107 = tpu.vector_load_idx %arg9[%add3A_35, %broadcast_in_dim3A_106] : memref<256x32xf32, #tpu.memory_space<vmem>>[vector<16xi32>, vector<16xi32>], vector<16xf32>,
        %gather3A_108 = tpu.vector_load_idx %arg10[%add3A_35, %broadcast_in_dim3A_106] : memref<256x32xf32, #tpu.memory_space<vmem>>[vector<16xi32>, vector<16xi32>], vector<16xf32>,
        %mul3A_109 = arith.mulf %gather3A_107, %gather3A_108 : vector<16xf32>
        %add3A_110 = arith.addf %add3A_104, %mul3A_109 : vector<16xf32>
        %broadcast_in_dim3A_111 = arith.constant 13 : i32
        %broadcast_in_dim3A_112 = vector.broadcast %broadcast_in_dim3A_111 : i32 to vector<16xi32>
        %gather3A_113 = tpu.vector_load_idx %arg9[%add3A_35, %broadcast_in_dim3A_112] : memref<256x32xf32, #tpu.memory_space<vmem>>[vector<16xi32>, vector<16xi32>], vector<16xf32>,
        %gather3A_114 = tpu.vector_load_idx %arg10[%add3A_35, %broadcast_in_dim3A_112] : memref<256x32xf32, #tpu.memory_space<vmem>>[vector<16xi32>, vector<16xi32>], vector<16xf32>,
        %mul3A_115 = arith.mulf %gather3A_113, %gather3A_114 : vector<16xf32>
        %add3A_116 = arith.addf %add3A_110, %mul3A_115 : vector<16xf32>
        %broadcast_in_dim3A_117 = arith.constant 14 : i32
        %broadcast_in_dim3A_118 = vector.broadcast %broadcast_in_dim3A_117 : i32 to vector<16xi32>
        %gather3A_119 = tpu.vector_load_idx %arg9[%add3A_35, %broadcast_in_dim3A_118] : memref<256x32xf32, #tpu.memory_space<vmem>>[vector<16xi32>, vector<16xi32>], vector<16xf32>,
        %gather3A_120 = tpu.vector_load_idx %arg10[%add3A_35, %broadcast_in_dim3A_118] : memref<256x32xf32, #tpu.memory_space<vmem>>[vector<16xi32>, vector<16xi32>], vector<16xf32>,
        %mul3A_121 = arith.mulf %gather3A_119, %gather3A_120 : vector<16xf32>
        %add3A_122 = arith.addf %add3A_116, %mul3A_121 : vector<16xf32>
        %broadcast_in_dim3A_123 = arith.constant 15 : i32
        %broadcast_in_dim3A_124 = vector.broadcast %broadcast_in_dim3A_123 : i32 to vector<16xi32>
        %gather3A_125 = tpu.vector_load_idx %arg9[%add3A_35, %broadcast_in_dim3A_124] : memref<256x32xf32, #tpu.memory_space<vmem>>[vector<16xi32>, vector<16xi32>], vector<16xf32>,
        %gather3A_126 = tpu.vector_load_idx %arg10[%add3A_35, %broadcast_in_dim3A_124] : memref<256x32xf32, #tpu.memory_space<vmem>>[vector<16xi32>, vector<16xi32>], vector<16xf32>,
        %mul3A_127 = arith.mulf %gather3A_125, %gather3A_126 : vector<16xf32>
        %add3A_128 = arith.addf %add3A_122, %mul3A_127 : vector<16xf32>
        %broadcast_in_dim3A_129 = arith.constant 16 : i32
        %broadcast_in_dim3A_130 = vector.broadcast %broadcast_in_dim3A_129 : i32 to vector<16xi32>
        %gather3A_131 = tpu.vector_load_idx %arg9[%add3A_35, %broadcast_in_dim3A_130] : memref<256x32xf32, #tpu.memory_space<vmem>>[vector<16xi32>, vector<16xi32>], vector<16xf32>,
        %gather3A_132 = tpu.vector_load_idx %arg10[%add3A_35, %broadcast_in_dim3A_130] : memref<256x32xf32, #tpu.memory_space<vmem>>[vector<16xi32>, vector<16xi32>], vector<16xf32>,
        %mul3A_133 = arith.mulf %gather3A_131, %gather3A_132 : vector<16xf32>
        %add3A_134 = arith.addf %add3A_128, %mul3A_133 : vector<16xf32>
        %broadcast_in_dim3A_135 = arith.constant 17 : i32
        %broadcast_in_dim3A_136 = vector.broadcast %broadcast_in_dim3A_135 : i32 to vector<16xi32>
        %gather3A_137 = tpu.vector_load_idx %arg9[%add3A_35, %broadcast_in_dim3A_136] : memref<256x32xf32, #tpu.memory_space<vmem>>[vector<16xi32>, vector<16xi32>], vector<16xf32>,
        %gather3A_138 = tpu.vector_load_idx %arg10[%add3A_35, %broadcast_in_dim3A_136] : memref<256x32xf32, #tpu.memory_space<vmem>>[vector<16xi32>, vector<16xi32>], vector<16xf32>,
        %mul3A_139 = arith.mulf %gather3A_137, %gather3A_138 : vector<16xf32>
        %add3A_140 = arith.addf %add3A_134, %mul3A_139 : vector<16xf32>
        %broadcast_in_dim3A_141 = arith.constant 18 : i32
        %broadcast_in_dim3A_142 = vector.broadcast %broadcast_in_dim3A_141 : i32 to vector<16xi32>
        %gather3A_143 = tpu.vector_load_idx %arg9[%add3A_35, %broadcast_in_dim3A_142] : memref<256x32xf32, #tpu.memory_space<vmem>>[vector<16xi32>, vector<16xi32>], vector<16xf32>,
        %gather3A_144 = tpu.vector_load_idx %arg10[%add3A_35, %broadcast_in_dim3A_142] : memref<256x32xf32, #tpu.memory_space<vmem>>[vector<16xi32>, vector<16xi32>], vector<16xf32>,
        %mul3A_145 = arith.mulf %gather3A_143, %gather3A_144 : vector<16xf32>
        %add3A_146 = arith.addf %add3A_140, %mul3A_145 : vector<16xf32>
        %broadcast_in_dim3A_147 = arith.constant 19 : i32
        %broadcast_in_dim3A_148 = vector.broadcast %broadcast_in_dim3A_147 : i32 to vector<16xi32>
        %gather3A_149 = tpu.vector_load_idx %arg9[%add3A_35, %broadcast_in_dim3A_148] : memref<256x32xf32, #tpu.memory_space<vmem>>[vector<16xi32>, vector<16xi32>], vector<16xf32>,
        %gather3A_150 = tpu.vector_load_idx %arg10[%add3A_35, %broadcast_in_dim3A_148] : memref<256x32xf32, #tpu.memory_space<vmem>>[vector<16xi32>, vector<16xi32>], vector<16xf32>,
        %mul3A_151 = arith.mulf %gather3A_149, %gather3A_150 : vector<16xf32>
        %add3A_152 = arith.addf %add3A_146, %mul3A_151 : vector<16xf32>
        %broadcast_in_dim3A_153 = arith.constant 20 : i32
        %broadcast_in_dim3A_154 = vector.broadcast %broadcast_in_dim3A_153 : i32 to vector<16xi32>
        %gather3A_155 = tpu.vector_load_idx %arg9[%add3A_35, %broadcast_in_dim3A_154] : memref<256x32xf32, #tpu.memory_space<vmem>>[vector<16xi32>, vector<16xi32>], vector<16xf32>,
        %gather3A_156 = tpu.vector_load_idx %arg10[%add3A_35, %broadcast_in_dim3A_154] : memref<256x32xf32, #tpu.memory_space<vmem>>[vector<16xi32>, vector<16xi32>], vector<16xf32>,
        %mul3A_157 = arith.mulf %gather3A_155, %gather3A_156 : vector<16xf32>
        %add3A_158 = arith.addf %add3A_152, %mul3A_157 : vector<16xf32>
        %broadcast_in_dim3A_159 = arith.constant 21 : i32
        %broadcast_in_dim3A_160 = vector.broadcast %broadcast_in_dim3A_159 : i32 to vector<16xi32>
        %gather3A_161 = tpu.vector_load_idx %arg9[%add3A_35, %broadcast_in_dim3A_160] : memref<256x32xf32, #tpu.memory_space<vmem>>[vector<16xi32>, vector<16xi32>], vector<16xf32>,
        %gather3A_162 = tpu.vector_load_idx %arg10[%add3A_35, %broadcast_in_dim3A_160] : memref<256x32xf32, #tpu.memory_space<vmem>>[vector<16xi32>, vector<16xi32>], vector<16xf32>,
        %mul3A_163 = arith.mulf %gather3A_161, %gather3A_162 : vector<16xf32>
        %add3A_164 = arith.addf %add3A_158, %mul3A_163 : vector<16xf32>
        %broadcast_in_dim3A_165 = arith.constant 22 : i32
        %broadcast_in_dim3A_166 = vector.broadcast %broadcast_in_dim3A_165 : i32 to vector<16xi32>
        %gather3A_167 = tpu.vector_load_idx %arg9[%add3A_35, %broadcast_in_dim3A_166] : memref<256x32xf32, #tpu.memory_space<vmem>>[vector<16xi32>, vector<16xi32>], vector<16xf32>,
        %gather3A_168 = tpu.vector_load_idx %arg10[%add3A_35, %broadcast_in_dim3A_166] : memref<256x32xf32, #tpu.memory_space<vmem>>[vector<16xi32>, vector<16xi32>], vector<16xf32>,
        %mul3A_169 = arith.mulf %gather3A_167, %gather3A_168 : vector<16xf32>
        %add3A_170 = arith.addf %add3A_164, %mul3A_169 : vector<16xf32>
        %broadcast_in_dim3A_171 = arith.constant 23 : i32
        %broadcast_in_dim3A_172 = vector.broadcast %broadcast_in_dim3A_171 : i32 to vector<16xi32>
        %gather3A_173 = tpu.vector_load_idx %arg9[%add3A_35, %broadcast_in_dim3A_172] : memref<256x32xf32, #tpu.memory_space<vmem>>[vector<16xi32>, vector<16xi32>], vector<16xf32>,
        %gather3A_174 = tpu.vector_load_idx %arg10[%add3A_35, %broadcast_in_dim3A_172] : memref<256x32xf32, #tpu.memory_space<vmem>>[vector<16xi32>, vector<16xi32>], vector<16xf32>,
        %mul3A_175 = arith.mulf %gather3A_173, %gather3A_174 : vector<16xf32>
        %add3A_176 = arith.addf %add3A_170, %mul3A_175 : vector<16xf32>
        %broadcast_in_dim3A_177 = arith.constant 24 : i32
        %broadcast_in_dim3A_178 = vector.broadcast %broadcast_in_dim3A_177 : i32 to vector<16xi32>
        %gather3A_179 = tpu.vector_load_idx %arg9[%add3A_35, %broadcast_in_dim3A_178] : memref<256x32xf32, #tpu.memory_space<vmem>>[vector<16xi32>, vector<16xi32>], vector<16xf32>,
        %gather3A_180 = tpu.vector_load_idx %arg10[%add3A_35, %broadcast_in_dim3A_178] : memref<256x32xf32, #tpu.memory_space<vmem>>[vector<16xi32>, vector<16xi32>], vector<16xf32>,
        %mul3A_181 = arith.mulf %gather3A_179, %gather3A_180 : vector<16xf32>
        %add3A_182 = arith.addf %add3A_176, %mul3A_181 : vector<16xf32>
        %broadcast_in_dim3A_183 = arith.constant 25 : i32
        %broadcast_in_dim3A_184 = vector.broadcast %broadcast_in_dim3A_183 : i32 to vector<16xi32>
        %gather3A_185 = tpu.vector_load_idx %arg9[%add3A_35, %broadcast_in_dim3A_184] : memref<256x32xf32, #tpu.memory_space<vmem>>[vector<16xi32>, vector<16xi32>], vector<16xf32>,
        %gather3A_186 = tpu.vector_load_idx %arg10[%add3A_35, %broadcast_in_dim3A_184] : memref<256x32xf32, #tpu.memory_space<vmem>>[vector<16xi32>, vector<16xi32>], vector<16xf32>,
        %mul3A_187 = arith.mulf %gather3A_185, %gather3A_186 : vector<16xf32>
        %add3A_188 = arith.addf %add3A_182, %mul3A_187 : vector<16xf32>
        %broadcast_in_dim3A_189 = arith.constant 26 : i32
        %broadcast_in_dim3A_190 = vector.broadcast %broadcast_in_dim3A_189 : i32 to vector<16xi32>
        %gather3A_191 = tpu.vector_load_idx %arg9[%add3A_35, %broadcast_in_dim3A_190] : memref<256x32xf32, #tpu.memory_space<vmem>>[vector<16xi32>, vector<16xi32>], vector<16xf32>,
        %gather3A_192 = tpu.vector_load_idx %arg10[%add3A_35, %broadcast_in_dim3A_190] : memref<256x32xf32, #tpu.memory_space<vmem>>[vector<16xi32>, vector<16xi32>], vector<16xf32>,
        %mul3A_193 = arith.mulf %gather3A_191, %gather3A_192 : vector<16xf32>
        %add3A_194 = arith.addf %add3A_188, %mul3A_193 : vector<16xf32>
        %broadcast_in_dim3A_195 = arith.constant 27 : i32
        %broadcast_in_dim3A_196 = vector.broadcast %broadcast_in_dim3A_195 : i32 to vector<16xi32>
        %gather3A_197 = tpu.vector_load_idx %arg9[%add3A_35, %broadcast_in_dim3A_196] : memref<256x32xf32, #tpu.memory_space<vmem>>[vector<16xi32>, vector<16xi32>], vector<16xf32>,
        %gather3A_198 = tpu.vector_load_idx %arg10[%add3A_35, %broadcast_in_dim3A_196] : memref<256x32xf32, #tpu.memory_space<vmem>>[vector<16xi32>, vector<16xi32>], vector<16xf32>,
        %mul3A_199 = arith.mulf %gather3A_197, %gather3A_198 : vector<16xf32>
        %add3A_200 = arith.addf %add3A_194, %mul3A_199 : vector<16xf32>
        %broadcast_in_dim3A_201 = arith.constant 28 : i32
        %broadcast_in_dim3A_202 = vector.broadcast %broadcast_in_dim3A_201 : i32 to vector<16xi32>
        %gather3A_203 = tpu.vector_load_idx %arg9[%add3A_35, %broadcast_in_dim3A_202] : memref<256x32xf32, #tpu.memory_space<vmem>>[vector<16xi32>, vector<16xi32>], vector<16xf32>,
        %gather3A_204 = tpu.vector_load_idx %arg10[%add3A_35, %broadcast_in_dim3A_202] : memref<256x32xf32, #tpu.memory_space<vmem>>[vector<16xi32>, vector<16xi32>], vector<16xf32>,
        %mul3A_205 = arith.mulf %gather3A_203, %gather3A_204 : vector<16xf32>
        %add3A_206 = arith.addf %add3A_200, %mul3A_205 : vector<16xf32>
        %broadcast_in_dim3A_207 = arith.constant 29 : i32
        %broadcast_in_dim3A_208 = vector.broadcast %broadcast_in_dim3A_207 : i32 to vector<16xi32>
        %gather3A_209 = tpu.vector_load_idx %arg9[%add3A_35, %broadcast_in_dim3A_208] : memref<256x32xf32, #tpu.memory_space<vmem>>[vector<16xi32>, vector<16xi32>], vector<16xf32>,
        %gather3A_210 = tpu.vector_load_idx %arg10[%add3A_35, %broadcast_in_dim3A_208] : memref<256x32xf32, #tpu.memory_space<vmem>>[vector<16xi32>, vector<16xi32>], vector<16xf32>,
        %mul3A_211 = arith.mulf %gather3A_209, %gather3A_210 : vector<16xf32>
        %add3A_212 = arith.addf %add3A_206, %mul3A_211 : vector<16xf32>
        %broadcast_in_dim3A_213 = arith.constant 30 : i32
        %broadcast_in_dim3A_214 = vector.broadcast %broadcast_in_dim3A_213 : i32 to vector<16xi32>
        %gather3A_215 = tpu.vector_load_idx %arg9[%add3A_35, %broadcast_in_dim3A_214] : memref<256x32xf32, #tpu.memory_space<vmem>>[vector<16xi32>, vector<16xi32>], vector<16xf32>,
        %gather3A_216 = tpu.vector_load_idx %arg10[%add3A_35, %broadcast_in_dim3A_214] : memref<256x32xf32, #tpu.memory_space<vmem>>[vector<16xi32>, vector<16xi32>], vector<16xf32>,
        %mul3A_217 = arith.mulf %gather3A_215, %gather3A_216 : vector<16xf32>
        %add3A_218 = arith.addf %add3A_212, %mul3A_217 : vector<16xf32>
        %broadcast_in_dim3A_219 = arith.constant 31 : i32
        %broadcast_in_dim3A_220 = vector.broadcast %broadcast_in_dim3A_219 : i32 to vector<16xi32>
        %gather3A_221 = tpu.vector_load_idx %arg9[%add3A_35, %broadcast_in_dim3A_220] : memref<256x32xf32, #tpu.memory_space<vmem>>[vector<16xi32>, vector<16xi32>], vector<16xf32>,
        %gather3A_222 = tpu.vector_load_idx %arg10[%add3A_35, %broadcast_in_dim3A_220] : memref<256x32xf32, #tpu.memory_space<vmem>>[vector<16xi32>, vector<16xi32>], vector<16xf32>,
        %mul3A_223 = arith.mulf %gather3A_221, %gather3A_222 : vector<16xf32>
        %add3A_224 = arith.addf %add3A_218, %mul3A_223 : vector<16xf32>
        %neg3A = arith.constant 0.000000e+00 : f32
        %neg3A_225 = vector.broadcast %neg3A : f32 to vector<16xf32>
        %neg3A_226 = arith.subf %neg3A_225, %add3A_224 : vector<16xf32>
        %exp3A = math.exp %neg3A_226 : vector<16xf32>
        %add3A_227 = arith.constant 1.000000e+00 : f32
        %add3A_228 = vector.broadcast %add3A_227 : f32 to vector<16xf32>
        %add3A_229 = arith.addf %add3A_228, %exp3A : vector<16xf32>
        %div3A = arith.constant 1.000000e+00 : f32
        %div3A_230 = vector.broadcast %div3A : f32 to vector<16xf32>
        %div3A_231 = arith.divf %div3A_230, %add3A_229 : vector<16xf32>
        %mul3A_232 = arith.constant 16 : i32
        %mul3A_233 = arith.muli %scan3A_31, %mul3A_232 : i32
        %add3A_234 = arith.addi %mul3A_9, %mul3A_233 : i32
        %swap3A = arith.index_cast %add3A_234 : i32 to index
        %swap3A_235 = tpu.vector_load %arg11[%swap3A] {strides = array<i32>} : memref<512xf32, #tpu.memory_space<vmem>>, vector<16xf32>,
        tpu.vector_store %arg11[%swap3A], %div3A_231 {strides = array<i32>} : memref<512xf32, #tpu.memory_space<vmem>>, vector<16xf32>,
      }
      %scan3A_30 = arith.constant 16 : i32
    }
    %scan3A_6 = arith.constant 2 : i32
    "tpu.region"() ({
      %run_scoped3A = tpu.sem_alloc : memref<!tpu.dma_semaphore, #tpu.memory_space<semaphore_mem>>
      %dma_start3A = tpu.memref_slice %arg6[%mul3A_2] : memref<16384xf32, #tpu.memory_space<hbm>> -> memref<512xf32, #tpu.memory_space<hbm>>
      %dma_start3A_7 = tpu.memref_slice %arg6[%mul3A_2] : memref<16384xf32, #tpu.memory_space<hbm>> -> memref<512xf32, #tpu.memory_space<hbm>>
      tpu.enqueue_dma source(%arg11 : memref<512xf32, #tpu.memory_space<vmem>>) target(%dma_start3A_7 : memref<512xf32, #tpu.memory_space<hbm>>) target_semaphore(%run_scoped3A : memref<!tpu.dma_semaphore, #tpu.memory_space<semaphore_mem>>)
      %dma_wait3A = tpu.memref_slice %arg6[%mul3A_2] : memref<16384xf32, #tpu.memory_space<hbm>> -> memref<512xf32, #tpu.memory_space<hbm>>
      %dma_wait3A_8 = tpu.memref_slice %arg6[%mul3A_2] : memref<16384xf32, #tpu.memory_space<hbm>> -> memref<512xf32, #tpu.memory_space<hbm>>
      tpu.wait_dma2 semaphore(%run_scoped3A : memref<!tpu.dma_semaphore, #tpu.memory_space<semaphore_mem>>) src(%arg11 : memref<512xf32, #tpu.memory_space<vmem>>) dst(%dma_wait3A_8 : memref<512xf32, #tpu.memory_space<hbm>>)
      tpu.yield
    }) : () -> ()
    return
  }
}

</mosaic_0001>

<sc_bundles>
// kernel: _pda.3.cloned.1.call-start
scs
__scs_entry_jumppad:
0x0: {  	(pc) =	sbr.rel $0x88, $3  }
0x1: {  	(tag) =	ssettag $0x0;
	lr =	simm.s32 $0x1  }
0x2: {  	[smem:$0x3F9D] =	sst lr;
	_ =	strace $0xD0000000  }
0x3: {  	_ = 	snop  }
0x4: {  	_ = 	snop  }
0x5: {  	_ = 	snop  }
0x6: {  	_ = 	snop  }
0x7: {  	_ = 	snop  }
__scs_overlays_trampoline_lowered:
0x8: {  	[smem:$0x3FAC] =	sst s0  }
0x9: {  	[smem:$0x3FAD] =	sst s1  }
0xa: {  	[smem:$0x3FAE] =	sst s2  }
0xb: {  	[smem:$0x3FAF] =	sst s3  }
0xc: {  	[smem:$0x3FB0] =	sst s4  }
0xd: {  	[smem:$0x3FB1] =	sst s5  }
0xe: {  	[smem:$0x3FB2] =	sst s6  }
0xf: {  	[smem:$0x3FB3] =	sst s7  }
0x10: {  	[smem:$0x3FB4] =	sst s8  }
0x11: {  	[smem:$0x3FB5] =	sst s9;
	s0 =	simm.s32 @!p0 $0x0  }
0x12: {  	s1 =	sld [smem:$0x3F9B];
	s0 =	simm.s32 @p0 $0x1  }
0x13: {  	[smem:$0x3FB6] =	sst s0;
	s0 =	simm.s32 @!p1 $0x0  }
0x14: {  	s2 =	sld [smem:$0x3F9A];
	s0 =	simm.s32 @p1 $0x1  }
0x15: {  	[smem:$0x3FB7] =	sst s0;
	s0 =	simm.s32 @!p2 $0x0  }
0x16: {  	s3 =	sld [smem:$0x3FDB];
	s0 =	simm.s32 @p2 $0x1  }
0x17: {  	s4 =	simm.s32 $0x1BF5;
	[smem:$0x3FB9] =	sst s0  }
0x18: {  	s0 =	sld [smem:$0x3F9C];
	_ =	swait.ge [sflag:s4], $0x0  }
0x19: {  	s7 =	sld [smem:$0x3F9D]  }
0x1a: {  	s8 =	sadd.s32 $0xFFFFE003, lr  }
0x1b: {  	s9 =	sadd.s32 $0xFFFFFEF7, lr;
	s5 =	simm.s32 $0xFFFFFFFF;
	p2 =	slt.u32 s8, $0xFFFFF086  }
0x1c: {  	p1 =	slt.u32 s9, $0xF7A;
	s5 =	simm.s32 @!p2 $0x0  }
0x1d: {  	s5 =	simm.s32 @p1 $0x1;
	p0 =	seq.s32 s7, s2  }
0x1e: {  	s7 =	smul.u32 @!p0 $0xF7A, s2;
	p2 =	seq.s32 @!p0 s5, $0x0  }
0x1f: {  	s9 =	smul.u32 $0xF7A, s1;
	s8 =	simm.s32 @!p0 $0x1BF5;
	p2 =	por !p2, p0  }
0x20: {  	[sflag:s8] =	ssyncset.s32 @!p0 $0xFFFFF086;
	s6 =	sadd.s32 @!p0 s3, s7;
	s7 =	simm.s32 @!p0 $0x108  }
0x21: {  	s3 =	sadd.s32 s3, s9;
	s6 =	sadd.s32 @!p0 $0x88, s6;
	s7 =	simm.s32 @p2 $0x1082  }
0x22: {  	[simem:s7], [sflag:s8] =	dma.local @!p0 [hbm:s6], $0xF7A  }
0x23: {  	s9 =	sor.u32 $0xD0000000, s2;
	s6 =	simm.s32 $0x108;
	_ =	swait.ge @!p0 [sflag:s8], $0x0  }
0x24: {  	s3 =	sadd.s32 $0x88, s3;
	s6 =	simm.s32 @!p1 $0x1082;
	[sflag:s4] =	ssyncset.s32 $0xFFFFF086  }
0x25: {  	[simem:s6], [sflag:s4] =	dma.local [hbm:s3], $0xF7A  }
0x26: {  	[smem:$0x3F9D] =	sst s1;
	(tag) =	ssettag s2;
	_ =	strace s9  }
0x27: {  	s1 =	sld [smem:$0x3FAD]  }
0x28: {  	s2 =	sld [smem:$0x3FAE]  }
0x29: {  	s4 =	sld [smem:$0x3FB0]  }
0x2a: {  	p0 =	seq.s32 s5, $0x0;
	s5 =	sld [smem:$0x3FB1]  }
0x2b: {  	s6 =	sld [smem:$0x3FB2]  }
0x2c: {  	s7 =	sld [smem:$0x3FB3]  }
0x2d: {  	s3 =	simm.s32 $0x108;
	s8 =	sld [smem:$0x3FB4]  }
0x2e: {  	s3 =	simm.s32 @!p0 $0x1082;
	s9 =	sld [smem:$0x3FB5]  }
0x2f: {  	lr =	sadd.s32 s0, s3;
	s0 =	sld [smem:$0x3FAC]  }
0x30: {  	s3 =	sld [smem:$0x3FAF]  }
0x31: {  	[smem:$0x3FB8] =	sst s10  }
0x32: {  	s10 =	sld [smem:$0x3FB6];
	_ =	sdelay $0x3  }
0x33: {  	p0 =	seq.s32 s10, $0x1;
	s10 =	sld [smem:$0x3FB8];
	_ =	sdelay $0x3  }
0x34: {  	[smem:$0x3FB8] =	sst s10  }
0x35: {  	s10 =	sld [smem:$0x3FB7];
	_ =	sdelay $0x3  }
0x36: {  	p1 =	seq.s32 s10, $0x1;
	s10 =	sld [smem:$0x3FB8];
	_ =	sdelay $0x3  }
0x37: {  	[smem:$0x3FB8] =	sst s10  }
0x38: {  	s10 =	sld [smem:$0x3FB9]  }
0x39: {  	_ = 	snop;
	(pc) =	sbr.ind lr, $3  }
0x3a: {  	_ = 	snop  }
0x3b: {  	_ = 	snop  }
0x3c: {  	p2 =	seq.s32 s10, $0x1;
	s10 =	sld [smem:$0x3FB8]  }
0x3d: {  	_ =	shalt  }
0x3e: {  	_ =	shalt  }
0x3f: {  	_ =	shalt  }
0x40: {  	_ =	shalt  }
0x41: {  	_ =	shalt  }
0x42: {  	_ =	shalt  }
0x43: {  	_ =	shalt  }
0x44: {  	_ =	shalt  }
0x45: {  	_ =	shalt  }
0x46: {  	_ =	shalt  }
0x47: {  	_ =	shalt  }
0x48: {  	_ =	shalt  }
0x49: {  	_ =	shalt  }
0x4a: {  	_ =	shalt  }
0x4b: {  	_ =	shalt  }
0x4c: {  	_ =	shalt  }
0x4d: {  	_ =	shalt  }
0x4e: {  	_ =	shalt  }
0x4f: {  	_ =	shalt  }
0x50: {  	_ =	shalt  }
0x51: {  	_ =	shalt  }
0x52: {  	_ =	shalt  }
0x53: {  	_ =	shalt  }
0x54: {  	_ =	shalt  }
0x55: {  	_ =	shalt  }
0x56: {  	_ =	shalt  }
0x57: {  	_ =	shalt  }
0x58: {  	_ =	shalt  }
0x59: {  	_ =	shalt  }
0x5a: {  	_ =	shalt  }
0x5b: {  	_ =	shalt  }
0x5c: {  	_ =	shalt  }
0x5d: {  	_ =	shalt  }
0x5e: {  	_ =	shalt  }
0x5f: {  	_ =	shalt  }
0x60: {  	_ =	shalt  }
0x61: {  	_ =	shalt  }
0x62: {  	_ =	shalt  }
0x63: {  	_ =	shalt  }
0x64: {  	_ =	shalt  }
0x65: {  	_ =	shalt  }
0x66: {  	_ =	shalt  }
0x67: {  	_ =	shalt  }
0x68: {  	_ =	shalt  }
0x69: {  	_ =	shalt  }
0x6a: {  	_ =	shalt  }
0x6b: {  	_ =	shalt  }
0x6c: {  	_ =	shalt  }
0x6d: {  	_ =	shalt  }
0x6e: {  	_ =	shalt  }
0x6f: {  	_ =	shalt  }
0x70: {  	_ =	shalt  }
0x71: {  	_ =	shalt  }
0x72: {  	_ =	shalt  }
0x73: {  	_ =	shalt  }
0x74: {  	_ =	shalt  }
0x75: {  	_ =	shalt  }
0x76: {  	_ =	shalt  }
0x77: {  	_ =	shalt  }
0x78: {  	_ =	shalt  }
0x79: {  	_ =	shalt  }
0x7a: {  	_ =	shalt  }
0x7b: {  	_ =	shalt  }
0x7c: {  	_ =	shalt  }
0x7d: {  	_ =	shalt  }
0x7e: {  	_ =	shalt  }
0x7f: {  	_ =	shalt  }
0x80: {  	_ =	shalt  }
0x81: {  	_ =	shalt  }
0x82: {  	_ =	shalt  }
0x83: {  	_ =	shalt  }
0x84: {  	_ =	shalt  }
0x85: {  	_ =	shalt  }
0x86: {  	_ =	shalt  }
0x87: {  	_ =	shalt  }
.Lfunc_end0:
.L_simem_size_0:
called_computation_lowered:
.L_overlay_start_0:
0x88: {  	s2 =	sld [smem:$0x3FD9]  }
0x89: {  	s3 =	sld [smem:$0x3FFE];
	_ =	sdelay $0x1  }
0x8a: {  	s1 =	srdreg.scid  }
0x8b: {  	s0 =	sand.u32 $0x1, s1  }
0x8c: {  	s17 =	sshll.u32 s0, $0xA;
	s2 =	sadd.s32 s3, s2  }
0x8d: {  	s2 =	sadd.s32 s2, s17  }
0x8e: {  	[smem:$0x3FC4] =	sst s2  }
0x8f: {  	_ = 	snop  }
0x90: {  	s2 =	sld [smem:$0x3FC9]  }
0x91: {  	s18 =	sld [smem:$0x3FC8]  }
0x92: {  	s4 =	sld [smem:$0x3FD0];
	(tm) =	ssettm $0x1  }
0x93: {  	s5 =	sld [smem:$0x3FFB];
	_ =	sdelay $0x3  }
0x94: {  	_ =	strace s5  }
0x95: {  	s5 =	sld [smem:$0x3FFC];
	_ =	sdelay $0x3  }
0x96: {  	_ =	strace s5  }
0x97: {  	s5 =	sld [smem:$0x3FFD];
	_ =	sdelay $0x3  }
0x98: {  	_ =	strace s5  }
0x99: {  	_ =	strace $0x8FFFFFFF  }
0x9a: {  	s19 =	sld [smem:$0x3FDB];
	_ =	sdelay $0x1  }
0x9b: {  	s6 =	simm.s32 $_scs_section_size  }
0x9c: {  	s7 =	simm.s32 $_size__tile_overlayer_lowered;
	s8 =	simm.s32 $_tile_overlayer_lowered  }
0x9d: {  	s22 =	simm.s32 $0x1BFF;
	s21 =	sshll.u32 s8, $0x1;
	s5 =	sadd.s32 s6, s19  }
0x9e: {  	s9 =	simm.s32 $0x0;
	s20 =	sshll.u32 s7, $0x1;
	s7 =	sadd.s32 s21, s5  }
0x9f: {  	[timem:s9], [sflag:s22] =	dma.local [hbm:s7], s20  }
0xa0: {  	_ =	swait.ge [sflag:s22], s20  }
0xa1: {  	s6 =	ssub.s32 $0x0, s20;
	[sflag:s22] =	ssyncset.done $0x0  }
0xa2: {  	[sflag:s22] =	ssyncadd.s32 s6;
	_ =	sdelay $0x1  }
0xa3: {  	s23 =	simm.s32 $0x1B8B  }
0xa4: {  	_ =	swait.ge [sflag:s23], $0x1  }
0xa5: {  	[sflag:s23] =	ssyncset.done $0x0  }
0xa6: {  	s25 =	simm.s32 $0x1B8E;
	s24 =	sld [smem:$0x3FFE];
	[sflag:s23] =	ssyncadd.s32 $0xFFFFFFFF  }
0xa7: {  	s26 =	simm.s32 $execute0_lowered;
	[smem:$0x3FD2] =	sst s25  }
0xa8: {  	s7 =	sshll.u32 s26, $0x1;
	_ =	strace $0x80000046;
	[dreg:$0x1] =	wrdreg $0xFFFFFFFF  }
0xa9: {  	s28 =	simm.s32 $_size_execute0_lowered;
	s5 =	sadd.s32 s5, s7;
	[dreg:$0x0] =	wrdreg $0x0  }
0xaa: {  	s7 =	sshll.u32 s28, $0x1;
	[dreg:$0x2] =	wrdreg s5  }
0xab: {  	[dreg:$0x3] =	wrdreg s7  }
0xac: {  	[dreg:$0x4] =	wrdreg $0xC0  }
0xad: {  	_ =	task [dreg:s9], $0x5FFFF  }
0xae: {  	[dreg:$0x1] =	wrdreg $0xFFFFFFFF  }
0xaf: {  	[dreg:$0x0] =	wrdreg $0x60  }
0xb0: {  	[dreg:$0x2] =	wrdreg s2  }
0xb1: {  	[dreg:$0x3] =	wrdreg s18  }
0xb2: {  	[dreg:$0x4] =	wrdreg s24  }
0xb3: {  	[dreg:$0x5] =	wrdreg s4  }
0xb4: {  	[dreg:$0x6] =	wrdreg $0x9  }
0xb5: {  	_ =	task.clear_ibuf [dreg:s9], $0x7FFFF;
	_ =	strace $0x90000046  }
0xb6: {  	s29 =	simm.s32 $0x9;
	_ =	strace $0x80000048  }
0xb7: {  	_ =	swait.ge [sflag:s29], $0x1  }
0xb8: {  	[sflag:s29] =	ssyncadd.s32 $0xFFFFFFFF  }
0xb9: {  	_ =	strace $0x90000048  }
0xba: {  	_ =	sfence  }
0xbb: {  	s30 =	sld [smem:$0x0];
	_ =	sdelay $0x2  }
0xbc: {  	s31 =	sshll.u32 s1, $0xD;
	s1 =	sshrl.u32 s1, $0x2  }
0xbd: {  	s3 =	sand.u32 $0x4000, s31;
	s1 =	sadd.s32 s1, s30  }
0xbe: {  	s0 =	sor.u32 s3, s0;
	s1 =	sshll.u32 s1, $0x11  }
0xbf: {  	s0 =	sor.u32 s1, s0  }
0xc0: {  	s0 =	sadd.s32 $0x8F2B, s0  }
0xc1: {  	[sflag:s0] =	ssyncadd.remote.s32 $0x1  }
0xc2: {  	_ =	sfence.sel $0xFFFF  }
0xc3: {  	[dreg:$0x0] =	wrdreg $0xFFFFFFFF;
	(pc) =	sbr.abs _section_cstart, $3  }
0xc4: {  	[dreg:$0x1] =	wrdreg $0xFFFFFFFF  }
0xc5: {  	_ =	task.clear_ibuf [dreg:s9], $0x2FFFF;
	_ =	strace $0x9FFFFFFF  }
0xc6: {  	(tm) =	ssettm $0x7FFFFFFF  }
0xc7: {  	_ =	shalt  }
tec
execute0_lowered:
.L_overlay_start_1:
0x0: {  	(tag) =	ssettag $0x1  }
0x1: {  	s0 =	rddreg [dreg:$0x0]  }
0x2: {  	s2 =	rddreg [dreg:$0x1]  }
0x3: {  	s4 =	rddreg [dreg:$0x2]  }
0x4: {  	s5 =	rddreg [dreg:$0x3];
	s6 =	srdreg.scid  }
0x5: {  	s14 =	simm.s32 $0x0;
	s1 =	stileid.u32;
	s6 =	sand.u32 $0x1, s6  }
0x6: {  	s1 =	sshll.u32 s1, $0x7;
	s7 =	ssub.s32 $0x2, s6;
	s6 =	sshll.u32 s6, $0x6  }
0x7: {  	s12 =	simm.s32 $0x0;
	[smem:$0x7FF] =	sst s14;
	s6 =	sor.u32 s6, s1  }
0x8: {  	s8 =	sadd.s32 $0x400, s4;
	_ =	strace $0x80000047;
	s0 =	sadd.s32 s0, s6  }
0x9: {  	s9 =	sshrl.u32 s7, $0x1;
	s29 =	sadd.s32 s2, s6;
	[dreg:$0xe] =	wrdreg s0  }
0xa: {  	s7 =	ssub.s32 s7, s9;
	s30 =	sadd.s32 s5, s6;
	[dreg:$0xf] =	wrdreg s29  }
0xb: {  	v0 =	vlaneseq.u32;
	s4 =	sadd.s32 $0xF42800, s4;
	[dreg:$0x10] =	wrdreg s30;
	s31 =	smax.u32 s7, $0x1  }
0xc: {  	v0 =	vmul.u32 $0x80, v0;
	s1 =	simm.s32 $0x2;
	s2 =	simm.s32 $0x0;
	[dreg:$0x11] =	wrdreg s31  }
.LBB2_1:
0xd: {  	[dreg:$0x12] =	wrdreg s2  }
0xe: {  	s0 =	rddreg [dreg:$0xe]  }
0xf: {  	[tilespmem:s14], [sflag:$0x2] =	stream.linear.gather [hbm4b:s0+s14], $0x200, $0x38;
	[tilespmem:$0x10600] =	vst v63  }
0x10: {  	_ =	swait.ge [sflag:s1], $0x200  }
0x11: {  	[sflag:s1] =	ssyncset.done $0x0  }
0x12: {  	s31 =	simm.s32 $0x200;
	s30 =	rddreg [dreg:$0xf];
	[sflag:s1] =	ssyncadd.s32 $0xFFFFFE00  }
0x13: {  	[tilespmem:s31], [sflag:$0x2] =	stream.linear.gather [hbm4b:s30+s14], $0x200, $0x38;
	[tilespmem:$0x10600] =	vst v63  }
0x14: {  	_ =	swait.ge [sflag:s1], $0x200  }
0x15: {  	[sflag:s1] =	ssyncset.done $0x0  }
0x16: {  	p1 =	por $0x1, $0x1;
	s0 =	simm.s32 $0x0;
	[sflag:s1] =	ssyncadd.s32 $0xFFFFFE00  }
.LBB2_2:
0x17: {  	s18 =	sshll.u32 s0, $0x2  }
0x18: {  	s3 =	sshra.s32 s18, $0x2  }
0x19: {  	v1 =	vld [tilespmem:s3+$0x0]  }
0x1a: {  	[dreg:$0x13] =	wrdreg s0;
	s0 =	sadd.s32 $0x200, s3  }
0x1b: {  	v3 =	vld [tilespmem:s0+$0x0];
	_ =	sdelay $0x2  }
0x1c: {  	v2 =	vshll.u32 v1, $0x4  }
0x1d: {  	(v2sf) =	vpush v2, $0x0  }
0x1e: {  	v1 =	vshll.u32 v3, $0x4  }
0x1f: {  	(v2sf) =	vpush v1, $0x0;
	_ =	sdelay $0x1  }
0x20: {  	(v2sf) =	vpush v2, $0x1  }
0x21: {  	(v2sf) =	vpush v1, $0x1  }
0x22: {  	(v2sf) =	vpush v2, $0x2;
	_ =	sdelay $0x1  }
0x23: {  	(v2sf) =	vpush v1, $0x2;
	_ =	sdelay $0x1  }
0x24: {  	(v2sf) =	vpush v2, $0x3;
	_ =	sdelay $0x1  }
0x25: {  	s17 =	simm.s32 $0x0;
	s2 =	simm.s32 $0x8400;
	(v2sf) =	vpush v1, $0x3  }
0x26: {  	s7 =	simm.s32 $0x680;
	s6 =	simm.s32 $0x880;
	s5 =	simm.s32 $0x400  }
0x27: {  	s10 =	simm.s32 $0x600;
	s21 =	simm.s32 $0x480;
	s23 =	simm.s32 $0x8480  }
0x28: {  	s26 =	simm.s32 $0x500;
	s30 =	simm.s32 $0x8500;
	s9 =	spop (v2sf)  }
0x29: {  	s16 =	simm.s32 $0x8580;
	p0 =	por p1, p1;
	s9 =	sand.u32 $0x1FFFFFF0, s9  }
0x2a: {  	s18 =	simm.s32 $0x2000;
	s11 =	spop (v2sf);
	s9 =	sadd.s32 s8, s9  }
0x2b: {  	(v2sf) =	vpush v2, $0x4;
	[tilespmem:s5], [sflag:$0x1] =	stream.linear.gather [hbm4b:s9+s14], $0x80, $0x38;
	[tilespmem:$0x10600] =	vst v63  }
0x2c: {  	s11 =	sand.u32 $0x1FFFFFF0, s11;
	s1 =	spop (v2sf);
	s5 =	simm.s32 $0x8900  }
0x2d: {  	(v2sf) =	vpush v1, $0x4;
	s19 =	sadd.s32 s4, s11;
	s20 =	sand.u32 $0x1FFFFFF0, s1;
	s22 =	spop (v2sf)  }
0x2e: {  	(v2sf) =	vpush v2, $0x5;
	s1 =	simm.s32 $0x580;
	s11 =	sadd.s32 s8, s20;
	s24 =	spop (v2sf)  }
0x2f: {  	[tilespmem:s2], [sflag:$0x1] =	stream.linear.gather [hbm4b:s19+s14], $0x80, $0x38;
	[tilespmem:$0x10600] =	vst v63  }
0x30: {  	s9 =	sand.u32 $0x1FFFFFF0, s22;
	s22 =	simm.s32 $0x8600;
	s25 =	spop (v2sf)  }
0x31: {  	(v2sf) =	vpush v1, $0x5;
	[tilespmem:s21], [sflag:$0x1] =	stream.linear.gather [hbm4b:s11+s14], $0x80, $0x38;
	[tilespmem:$0x10600] =	vst v63  }
0x32: {  	s9 =	sadd.s32 s4, s9;
	s31 =	spop (v2sf);
	s11 =	sand.u32 $0x1FFFFFF0, s24  }
0x33: {  	(v2sf) =	vpush v2, $0x6;
	[tilespmem:s23], [sflag:$0x1] =	stream.linear.gather [hbm4b:s9+s14], $0x80, $0x38;
	[tilespmem:$0x10600] =	vst v63  }
0x34: {  	s29 =	sand.u32 $0x1FFFFFF0, s25;
	s13 =	spop (v2sf);
	s28 =	sadd.s32 s8, s11  }
0x35: {  	(v2sf) =	vpush v1, $0x6;
	[tilespmem:s26], [sflag:$0x1] =	stream.linear.gather [hbm4b:s28+s14], $0x80, $0x38;
	[tilespmem:$0x10600] =	vst v63  }
0x36: {  	s11 =	sadd.s32 s4, s29;
	s29 =	simm.s32 $0x8680;
	s9 =	sand.u32 $0x1FFFFFF0, s31  }
0x37: {  	(v2sf) =	vpush v2, $0x7;
	[tilespmem:s30], [sflag:$0x1] =	stream.linear.gather [hbm4b:s11+s14], $0x80, $0x38;
	[tilespmem:$0x10600] =	vst v63  }
0x38: {  	s23 =	simm.s32 $0x8A00;
	s9 =	sadd.s32 s8, s9;
	s11 =	sand.u32 $0x1FFFFFF0, s13  }
0x39: {  	[tilespmem:s1], [sflag:$0x1] =	stream.linear.gather [hbm4b:s9+s14], $0x80, $0x38;
	[tilespmem:$0x10600] =	vst v63  }
0x3a: {  	s31 =	simm.s32 $0x700;
	s19 =	sadd.s32 s4, s11;
	s15 =	spop (v2sf)  }
0x3b: {  	(v2sf) =	vpush v1, $0x7;
	[tilespmem:s16], [sflag:$0x1] =	stream.linear.gather [hbm4b:s19+s14], $0x80, $0x38;
	[tilespmem:$0x10600] =	vst v63  }
0x3c: {  	s13 =	simm.s32 $0xA80;
	s20 =	sand.u32 $0x1FFFFFF0, s15;
	s21 =	spop (v2sf)  }
0x3d: {  	(v2sf) =	vpush v2, $0x8;
	s11 =	sadd.s32 s8, s20;
	s19 =	simm.s32 $0x780;
	s24 =	spop (v2sf)  }
0x3e: {  	(v2sf) =	vpush v1, $0x8;
	[tilespmem:s10], [sflag:$0x1] =	stream.linear.gather [hbm4b:s11+s14], $0x80, $0x38;
	[tilespmem:$0x10600] =	vst v63  }
0x3f: {  	s9 =	sand.u32 $0x1FFFFFF0, s21;
	s21 =	simm.s32 $0x8780;
	s11 =	sand.u32 $0x1FFFFFF0, s24  }
0x40: {  	s9 =	sadd.s32 s4, s9;
	s25 =	spop (v2sf);
	(v2sf) =	vpush v2, $0x9;
	s26 =	sadd.s32 s8, s11  }
0x41: {  	[tilespmem:s22], [sflag:$0x1] =	stream.linear.gather [hbm4b:s9+s14], $0x80, $0x38;
	[tilespmem:$0x10600] =	vst v63  }
0x42: {  	s28 =	sand.u32 $0x1FFFFFF0, s25;
	s30 =	spop (v2sf);
	(v2sf) =	vpush v1, $0x9;
	s25 =	simm.s32 $0x800  }
0x43: {  	[tilespmem:s7], [sflag:$0x1] =	stream.linear.gather [hbm4b:s26+s14], $0x80, $0x38;
	[tilespmem:$0x10600] =	vst v63  }
0x44: {  	s10 =	sadd.s32 s4, s28;
	(v2sf) =	vpush v2, $0xA;
	s9 =	sand.u32 $0x1FFFFFF0, s30;
	s1 =	spop (v2sf)  }
0x45: {  	[tilespmem:s29], [sflag:$0x1] =	stream.linear.gather [hbm4b:s10+s14], $0x80, $0x38;
	[tilespmem:$0x10600] =	vst v63  }
0x46: {  	s9 =	sadd.s32 s8, s9;
	s2 =	spop (v2sf);
	(v2sf) =	vpush v1, $0xA;
	s10 =	sand.u32 $0x1FFFFFF0, s1  }
0x47: {  	[tilespmem:s31], [sflag:$0x1] =	stream.linear.gather [hbm4b:s9+s14], $0x80, $0x38;
	[tilespmem:$0x10600] =	vst v63  }
0x48: {  	s16 =	sand.u32 $0x1FFFFFF0, s2;
	s15 =	sadd.s32 s4, s10;
	s9 =	simm.s32 $0x8700  }
0x49: {  	[tilespmem:s9], [sflag:$0x1] =	stream.linear.gather [hbm4b:s15+s14], $0x80, $0x38;
	[tilespmem:$0x10600] =	vst v63  }
0x4a: {  	s29 =	simm.s32 $0x8800;
	s10 =	sadd.s32 s8, s16;
	s20 =	spop (v2sf);
	(v2sf) =	vpush v2, $0xB  }
0x4b: {  	[tilespmem:s19], [sflag:$0x1] =	stream.linear.gather [hbm4b:s10+s14], $0x80, $0x38;
	[tilespmem:$0x10600] =	vst v63  }
0x4c: {  	s15 =	simm.s32 $0x8880;
	(v2sf) =	vpush v1, $0xB;
	s9 =	sand.u32 $0x1FFFFFF0, s20;
	s22 =	spop (v2sf)  }
0x4d: {  	s9 =	sadd.s32 s4, s9;
	s10 =	sand.u32 $0x1FFFFFF0, s22;
	s24 =	spop (v2sf)  }
0x4e: {  	[tilespmem:s21], [sflag:$0x1] =	stream.linear.gather [hbm4b:s9+s14], $0x80, $0x38;
	[tilespmem:$0x10600] =	vst v63  }
0x4f: {  	s26 =	sadd.s32 s8, s10;
	s28 =	sand.u32 $0x1FFFFFF0, s24;
	s30 =	spop (v2sf)  }
0x50: {  	[tilespmem:s25], [sflag:$0x1] =	stream.linear.gather [hbm4b:s26+s14], $0x80, $0x38;
	[tilespmem:$0x10600] =	vst v63  }
0x51: {  	(v2sf) =	vpush v2, $0xC;
	s10 =	sadd.s32 s4, s28;
	s9 =	sand.u32 $0x1FFFFFF0, s30;
	s1 =	spop (v2sf)  }
0x52: {  	(v2sf) =	vpush v1, $0xC;
	[tilespmem:s29], [sflag:$0x1] =	stream.linear.gather [hbm4b:s10+s14], $0x80, $0x38;
	[tilespmem:$0x10600] =	vst v63  }
0x53: {  	s9 =	sadd.s32 s8, s9;
	s2 =	spop (v2sf);
	s10 =	sand.u32 $0x1FFFFFF0, s1  }
0x54: {  	[tilespmem:s6], [sflag:$0x1] =	stream.linear.gather [hbm4b:s9+s14], $0x80, $0x38;
	[tilespmem:$0x10600] =	vst v63  }
0x55: {  	s19 =	sand.u32 $0x1FFFFFF0, s2;
	s21 =	spop (v2sf);
	s16 =	sadd.s32 s4, s10  }
0x56: {  	[tilespmem:s15], [sflag:$0x1] =	stream.linear.gather [hbm4b:s16+s14], $0x80, $0x38;
	[tilespmem:$0x10600] =	vst v63  }
0x57: {  	s20 =	simm.s32 $0x900;
	s10 =	sadd.s32 s8, s19;
	s22 =	sand.u32 $0x1FFFFFF0, s21  }
0x58: {  	[tilespmem:s20], [sflag:$0x1] =	stream.linear.gather [hbm4b:s10+s14], $0x80, $0x38;
	[tilespmem:$0x10600] =	vst v63  }
0x59: {  	s31 =	simm.s32 $0x8980;
	s6 =	sadd.s32 s4, s22;
	s24 =	spop (v2sf)  }
0x5a: {  	[tilespmem:s5], [sflag:$0x1] =	stream.linear.gather [hbm4b:s6+s14], $0x80, $0x38;
	[tilespmem:$0x10600] =	vst v63  }
0x5b: {  	s26 =	simm.s32 $0x980;
	s9 =	sand.u32 $0x1FFFFFF0, s24;
	s25 =	spop (v2sf)  }
0x5c: {  	s21 =	sadd.s32 $0x10, s3;
	(v2sf) =	vpush v2, $0xD;
	s28 =	sadd.s32 s8, s9;
	s29 =	sand.u32 $0x1FFFFFF0, s25  }
0x5d: {  	(v2sf) =	vpush v1, $0xD;
	[tilespmem:s26], [sflag:$0x1] =	stream.linear.gather [hbm4b:s28+s14], $0x80, $0x38;
	[tilespmem:$0x10600] =	vst v63  }
0x5e: {  	s22 =	sadd.s32 $0x10, s0;
	s10 =	simm.s32 $0x8A80;
	(v2sf) =	vpush v2, $0xE;
	s30 =	sadd.s32 s4, s29  }
0x5f: {  	(v2sf) =	vpush v1, $0xE;
	[tilespmem:s31], [sflag:$0x1] =	stream.linear.gather [hbm4b:s30+s14], $0x80, $0x38;
	[tilespmem:$0x10600] =	vst v63  }
0x60: {  	s24 =	simm.s32 $0x8B00;
	s25 =	simm.s32 $0xB00;
	(v2sf) =	vpush v2, $0xF;
	s31 =	spop (v2sf)  }
0x61: {  	s26 =	simm.s32 $0xA00;
	(v2sf) =	vpush v1, $0xF;
	s0 =	sand.u32 $0x1FFFFFF0, s31;
	s5 =	spop (v2sf)  }
.LBB2_3:
0x62: {  	_ =	sdelay $0x4  }
0x63: {  	s0 =	sadd.s32 s8, s0;
	s5 =	sand.u32 $0x1FFFFFF0, s5  }
0x64: {  	[tilespmem:s26], [sflag:$0x1] =	stream.linear.gather [hbm4b:s0+s14], $0x80, $0x38;
	[tilespmem:$0x10600] =	vst v63  }
0x65: {  	s20 =	sadd.s32 s4, s5  }
0x66: {  	[tilespmem:s23], [sflag:$0x1] =	stream.linear.gather [hbm4b:s20+s14], $0x80, $0x38;
	[tilespmem:$0x10600] =	vst v63  }
0x67: {  	s6 =	spop (v2sf)  }
0x68: {  	s26 =	sand.u32 $0x1FFFFFF0, s6;
	s28 =	spop (v2sf)  }
0x69: {  	s29 =	sadd.s32 s8, s26;
	s2 =	sand.u32 $0x1FFFFFF0, s28;
	s30 =	spop (v2sf)  }
0x6a: {  	[tilespmem:s13], [sflag:$0x1] =	stream.linear.gather [hbm4b:s29+s14], $0x80, $0x38;
	[tilespmem:$0x10600] =	vst v63  }
0x6b: {  	s31 =	sadd.s32 s4, s2;
	s1 =	sand.u32 $0x1FFFFFF0, s30;
	s3 =	spop (v2sf)  }
0x6c: {  	[tilespmem:s10], [sflag:$0x1] =	stream.linear.gather [hbm4b:s31+s14], $0x80, $0x38;
	[tilespmem:$0x10600] =	vst v63  }
0x6d: {  	s6 =	sadd.s32 s8, s1;
	s7 =	sand.u32 $0x1FFFFFF0, s3;
	s9 =	spop (v2sf)  }
0x6e: {  	[tilespmem:s25], [sflag:$0x1] =	stream.linear.gather [hbm4b:s6+s14], $0x80, $0x38;
	[tilespmem:$0x10600] =	vst v63  }
0x6f: {  	s10 =	sadd.s32 s4, s7;
	s11 =	sand.u32 $0x1FFFFFF0, s9;
	s13 =	spop (v2sf)  }
0x70: {  	[tilespmem:s24], [sflag:$0x1] =	stream.linear.gather [hbm4b:s10+s14], $0x80, $0x38;
	[tilespmem:$0x10600] =	vst v63  }
0x71: {  	s15 =	sadd.s32 $0xB80, s17;
	s2 =	sadd.s32 s8, s11;
	s5 =	sand.u32 $0x1FFFFFF0, s13  }
0x72: {  	[tilespmem:s15], [sflag:$0x1] =	stream.linear.gather [hbm4b:s2+s14], $0x80, $0x38;
	[tilespmem:$0x10600] =	vst v63  }
0x73: {  	s16 =	sadd.s32 $0x8B80, s17;
	s17 =	sadd.s32 s4, s5  }
0x74: {  	[tilespmem:s16], [sflag:$0x1] =	stream.linear.gather [hbm4b:s17+s14], $0x80, $0x38;
	[tilespmem:$0x10600] =	vst v63  }
0x75: {  	v1 =	vld [tilespmem:s21+$0x0]  }
0x76: {  	v3 =	vld [tilespmem:s22+$0x0];
	_ =	sdelay $0x3  }
0x77: {  	v2 =	vshll.u32 v1, $0x4  }
0x78: {  	v1 =	vshll.u32 v3, $0x4;
	(v2sf) =	vpush v2, $0x0  }
0x79: {  	s19 =	smov.u32 s18;
	(v2sf) =	vpush v1, $0x0  }
0x7a: {  	s17 =	sshra.s32 s19, $0x2  }
0x7b: {  	p1 =	sne.s32 s18, $0x1E000;
	s18 =	sadd.s32 $0x2000, s18;
	s31 =	sadd.s32 $0x8400, s17  }
0x7c: {  	s0 =	sadd.s32 $0x680, s17;
	s20 =	sadd.s32 $0x880, s17;
	s2 =	sadd.s32 $0x400, s17;
	(v2sf) =	vpush v2, $0x1  }
0x7d: {  	s11 =	sadd.s32 $0x600, s17;
	s23 =	sadd.s32 $0x8900, s17;
	s19 =	sadd.s32 $0x580, s17;
	(v2sf) =	vpush v1, $0x1  }
0x7e: {  	s30 =	sadd.s32 $0x500, s17;
	s16 =	sadd.s32 $0x8600, s17;
	s13 =	sadd.s32 $0xA80, s17  }
0x7f: {  	s28 =	sadd.s32 $0x8480, s17;
	s29 =	sadd.s32 $0x8500, s17;
	s15 =	sadd.s32 $0x8680, s17;
	(v2sf) =	vpush v2, $0x2  }
0x80: {  	s9 =	sadd.s32 $0x700, s17;
	s1 =	sadd.s32 $0x8980, s17;
	[dreg:$0xd] =	wrdreg s0  }
0x81: {  	s10 =	sadd.s32 $0x8A80, s17;
	s5 =	sadd.s32 $0x8700, s17;
	[dreg:$0x7] =	wrdreg s20;
	(v2sf) =	vpush v1, $0x2  }
0x82: {  	s24 =	sadd.s32 $0x8880, s17;
	s25 =	sadd.s32 $0x900, s17;
	[dreg:$0x5] =	wrdreg s23  }
0x83: {  	s7 =	sadd.s32 $0x780, s17;
	s26 =	sadd.s32 $0x8800, s17;
	[dreg:$0x6] =	wrdreg s1;
	(v2sf) =	vpush v2, $0x3  }
0x84: {  	s6 =	sadd.s32 $0x8780, s17;
	s3 =	sadd.s32 $0x800, s17;
	[dreg:$0x9] =	wrdreg s24  }
0x85: {  	s21 =	sadd.s32 $0x10, s21;
	s22 =	sadd.s32 $0x10, s22;
	[dreg:$0x8] =	wrdreg s25;
	(v2sf) =	vpush v1, $0x3  }
0x86: {  	s0 =	sadd.s32 $0x8580, s17;
	s23 =	sadd.s32 $0x8A00, s17;
	[dreg:$0xb] =	wrdreg s26  }
0x87: {  	[dreg:$0xc] =	wrdreg s3;
	s3 =	sadd.s32 $0x980, s17;
	(v2sf) =	vpush v2, $0x4;
	s14 =	spop (v2sf)  }
0x88: {  	[dreg:$0xa] =	wrdreg s3;
	s1 =	sand.u32 $0x1FFFFFF0, s14;
	s3 =	spop (v2sf)  }
0x89: {  	s26 =	sadd.s32 $0xA00, s17;
	(v2sf) =	vpush v1, $0x4;
	s1 =	sadd.s32 s8, s1;
	s14 =	sand.u32 $0x1FFFFFF0, s3  }
0x8a: {  	[tilespmem:s2], [sflag:$0x1] =	stream.linear.gather [hbm4b:s1+s12], $0x80, $0x38;
	[tilespmem:$0x10600] =	vst v63  }
0x8b: {  	s20 =	sadd.s32 $0x480, s17;
	s3 =	spop (v2sf);
	(v2sf) =	vpush v2, $0x5;
	s1 =	sadd.s32 s4, s14  }
0x8c: {  	s14 =	simm.s32 $0x0;
	s2 =	sand.u32 $0x1FFFFFF0, s3;
	s3 =	spop (v2sf)  }
0x8d: {  	[tilespmem:s31], [sflag:$0x1] =	stream.linear.gather [hbm4b:s1+s14], $0x80, $0x38;
	[tilespmem:$0x10600] =	vst v63  }
0x8e: {  	(v2sf) =	vpush v1, $0x5;
	s2 =	sadd.s32 s8, s2;
	s3 =	sand.u32 $0x1FFFFFF0, s3;
	s31 =	spop (v2sf)  }
0x8f: {  	[tilespmem:s20], [sflag:$0x1] =	stream.linear.gather [hbm4b:s2+s14], $0x80, $0x38;
	[tilespmem:$0x10600] =	vst v63  }
0x90: {  	(v2sf) =	vpush v2, $0x6;
	s2 =	sadd.s32 s4, s3;
	s20 =	sand.u32 $0x1FFFFFF0, s31;
	s31 =	spop (v2sf)  }
0x91: {  	[tilespmem:s28], [sflag:$0x1] =	stream.linear.gather [hbm4b:s2+s14], $0x80, $0x38;
	[tilespmem:$0x10600] =	vst v63  }
0x92: {  	(v2sf) =	vpush v1, $0x6;
	s3 =	sand.u32 $0x1FFFFFF0, s31;
	s2 =	sadd.s32 s8, s20;
	s20 =	spop (v2sf)  }
0x93: {  	[tilespmem:s30], [sflag:$0x1] =	stream.linear.gather [hbm4b:s2+s14], $0x80, $0x38;
	[tilespmem:$0x10600] =	vst v63  }
0x94: {  	(v2sf) =	vpush v2, $0x7;
	s28 =	sadd.s32 s4, s3;
	s31 =	spop (v2sf);
	s30 =	sand.u32 $0x1FFFFFF0, s20  }
0x95: {  	[tilespmem:s29], [sflag:$0x1] =	stream.linear.gather [hbm4b:s28+s14], $0x80, $0x38;
	[tilespmem:$0x10600] =	vst v63  }
0x96: {  	(v2sf) =	vpush v1, $0x7;
	s20 =	sand.u32 $0x1FFFFFF0, s31;
	s2 =	sadd.s32 s8, s30;
	s28 =	spop (v2sf)  }
0x97: {  	(v2sf) =	vpush v2, $0x8;
	[tilespmem:s19], [sflag:$0x1] =	stream.linear.gather [hbm4b:s2+s14], $0x80, $0x38;
	[tilespmem:$0x10600] =	vst v63  }
0x98: {  	s25 =	sadd.s32 $0xB00, s17;
	s29 =	sadd.s32 s4, s20;
	s31 =	spop (v2sf)  }
0x99: {  	[tilespmem:s0], [sflag:$0x1] =	stream.linear.gather [hbm4b:s29+s14], $0x80, $0x38;
	[tilespmem:$0x10600] =	vst v63  }
0x9a: {  	s24 =	sadd.s32 $0x8B00, s17;
	s30 =	sand.u32 $0x1FFFFFF0, s28;
	s28 =	spop (v2sf)  }
0x9b: {  	s19 =	sadd.s32 s8, s30;
	(v2sf) =	vpush v1, $0x8;
	s20 =	sand.u32 $0x1FFFFFF0, s31;
	s30 =	sand.u32 $0x1FFFFFF0, s28  }
0x9c: {  	(v2sf) =	vpush v2, $0x9;
	[tilespmem:s11], [sflag:$0x1] =	stream.linear.gather [hbm4b:s19+s14], $0x80, $0x38;
	[tilespmem:$0x10600] =	vst v63  }
0x9d: {  	s29 =	sadd.s32 s4, s20;
	s31 =	spop (v2sf);
	s1 =	sadd.s32 s8, s30  }
0x9e: {  	(v2sf) =	vpush v1, $0x9;
	[tilespmem:s16], [sflag:$0x1] =	stream.linear.gather [hbm4b:s29+s14], $0x80, $0x38;
	[tilespmem:$0x10600] =	vst v63  }
0x9f: {  	s2 =	sand.u32 $0x1FFFFFF0, s31;
	s11 =	spop (v2sf);
	s16 =	rddreg [dreg:$0xd]  }
0xa0: {  	[tilespmem:s16], [sflag:$0x1] =	stream.linear.gather [hbm4b:s1+s14], $0x80, $0x38;
	[tilespmem:$0x10600] =	vst v63  }
0xa1: {  	s19 =	sadd.s32 s4, s2;
	s20 =	sand.u32 $0x1FFFFFF0, s11;
	s28 =	spop (v2sf)  }
0xa2: {  	(v2sf) =	vpush v2, $0xA;
	[tilespmem:s15], [sflag:$0x1] =	stream.linear.gather [hbm4b:s19+s14], $0x80, $0x38;
	[tilespmem:$0x10600] =	vst v63  }
0xa3: {  	s29 =	sadd.s32 s8, s20;
	s30 =	sand.u32 $0x1FFFFFF0, s28;
	s31 =	spop (v2sf)  }
0xa4: {  	(v2sf) =	vpush v1, $0xA;
	[tilespmem:s9], [sflag:$0x1] =	stream.linear.gather [hbm4b:s29+s14], $0x80, $0x38;
	[tilespmem:$0x10600] =	vst v63  }
0xa5: {  	s1 =	sadd.s32 s4, s30;
	s3 =	sand.u32 $0x1FFFFFF0, s31;
	s9 =	spop (v2sf)  }
0xa6: {  	(v2sf) =	vpush v2, $0xB;
	s11 =	sadd.s32 s8, s3;
	s15 =	sand.u32 $0x1FFFFFF0, s9;
	s16 =	spop (v2sf)  }
0xa7: {  	[tilespmem:s5], [sflag:$0x1] =	stream.linear.gather [hbm4b:s1+s14], $0x80, $0x38;
	[tilespmem:$0x10600] =	vst v63  }
0xa8: {  	s19 =	sadd.s32 s4, s15;
	s20 =	sand.u32 $0x1FFFFFF0, s16;
	s5 =	rddreg [dreg:$0xc]  }
0xa9: {  	[tilespmem:s7], [sflag:$0x1] =	stream.linear.gather [hbm4b:s11+s14], $0x80, $0x38;
	[tilespmem:$0x10600] =	vst v63  }
0xaa: {  	(v2sf) =	vpush v1, $0xB;
	s29 =	sadd.s32 s8, s20;
	s20 =	rddreg [dreg:$0x7];
	s28 =	spop (v2sf)  }
0xab: {  	(v2sf) =	vpush v2, $0xC;
	s11 =	rddreg [dreg:$0xb];
	s30 =	sand.u32 $0x1FFFFFF0, s28;
	s31 =	spop (v2sf)  }
0xac: {  	[tilespmem:s6], [sflag:$0x1] =	stream.linear.gather [hbm4b:s19+s14], $0x80, $0x38;
	[tilespmem:$0x10600] =	vst v63  }
0xad: {  	(v2sf) =	vpush v1, $0xC;
	s6 =	sadd.s32 s4, s30;
	s7 =	sand.u32 $0x1FFFFFF0, s31;
	s9 =	spop (v2sf)  }
0xae: {  	[tilespmem:s5], [sflag:$0x1] =	stream.linear.gather [hbm4b:s29+s14], $0x80, $0x38;
	[tilespmem:$0x10600] =	vst v63  }
0xaf: {  	s31 =	rddreg [dreg:$0x9];
	s15 =	sadd.s32 s8, s7;
	s16 =	sand.u32 $0x1FFFFFF0, s9  }
0xb0: {  	[tilespmem:s11], [sflag:$0x1] =	stream.linear.gather [hbm4b:s6+s14], $0x80, $0x38;
	[tilespmem:$0x10600] =	vst v63  }
0xb1: {  	s9 =	rddreg [dreg:$0x8];
	s19 =	spop (v2sf);
	s28 =	sadd.s32 s4, s16  }
0xb2: {  	[tilespmem:s20], [sflag:$0x1] =	stream.linear.gather [hbm4b:s15+s14], $0x80, $0x38;
	[tilespmem:$0x10600] =	vst v63  }
0xb3: {  	s29 =	sand.u32 $0x1FFFFFF0, s19;
	s19 =	rddreg [dreg:$0x5];
	s30 =	spop (v2sf)  }
0xb4: {  	[tilespmem:s31], [sflag:$0x1] =	stream.linear.gather [hbm4b:s28+s14], $0x80, $0x38;
	[tilespmem:$0x10600] =	vst v63  }
0xb5: {  	s5 =	sadd.s32 s8, s29;
	s6 =	sand.u32 $0x1FFFFFF0, s30;
	s7 =	spop (v2sf)  }
0xb6: {  	[tilespmem:s9], [sflag:$0x1] =	stream.linear.gather [hbm4b:s5+s14], $0x80, $0x38;
	[tilespmem:$0x10600] =	vst v63  }
0xb7: {  	s30 =	rddreg [dreg:$0xa];
	s11 =	sadd.s32 s4, s6;
	s15 =	sand.u32 $0x1FFFFFF0, s7  }
0xb8: {  	(v2sf) =	vpush v2, $0xD;
	[tilespmem:s19], [sflag:$0x1] =	stream.linear.gather [hbm4b:s11+s14], $0x80, $0x38;
	[tilespmem:$0x10600] =	vst v63  }
.Ltmp0:
0xb9: {  	(v2sf) =	vpush v1, $0xD;
	s20 =	sadd.s32 s8, s15;
	s16 =	spop (v2sf);
	(pc) =	sbr.rel @p1 .LBB2_3-.Ltmp0, $4  }
0xba: {  	(v2sf) =	vpush v2, $0xE;
	s31 =	rddreg [dreg:$0x6];
	s28 =	sand.u32 $0x1FFFFFF0, s16;
	s29 =	spop (v2sf)  }
0xbb: {  	(v2sf) =	vpush v1, $0xE;
	[tilespmem:s30], [sflag:$0x1] =	stream.linear.gather [hbm4b:s20+s14], $0x80, $0x38;
	[tilespmem:$0x10600] =	vst v63  }
0xbc: {  	(v2sf) =	vpush v2, $0xF;
	s1 =	sadd.s32 s4, s28;
	s0 =	sand.u32 $0x1FFFFFF0, s29;
	s5 =	spop (v2sf)  }
0xbd: {  	(v2sf) =	vpush v1, $0xF;
	[tilespmem:s31], [sflag:$0x1] =	stream.linear.gather [hbm4b:s1+s14], $0x80, $0x38;
	[tilespmem:$0x10600] =	vst v63  }
0xbe: {  	_ =	sdelay $0x4  }
0xbf: {  	s0 =	sadd.s32 s8, s0;
	s1 =	sand.u32 $0x1FFFFFF0, s5  }
0xc0: {  	[tilespmem:s26], [sflag:$0x1] =	stream.linear.gather [hbm4b:s0+s14], $0x80, $0x38;
	[tilespmem:$0x10600] =	vst v63  }
0xc1: {  	s3 =	sadd.s32 s4, s1  }
0xc2: {  	[tilespmem:s23], [sflag:$0x1] =	stream.linear.gather [hbm4b:s3+s14], $0x80, $0x38;
	[tilespmem:$0x10600] =	vst v63  }
0xc3: {  	s2 =	spop (v2sf)  }
0xc4: {  	s28 =	sadd.s32 $0x8B80, s17;
	s5 =	sand.u32 $0x1FFFFFF0, s2;
	s6 =	spop (v2sf)  }
0xc5: {  	s7 =	sadd.s32 s8, s5;
	s9 =	sand.u32 $0x1FFFFFF0, s6;
	s11 =	spop (v2sf)  }
0xc6: {  	[tilespmem:s13], [sflag:$0x1] =	stream.linear.gather [hbm4b:s7+s14], $0x80, $0x38;
	[tilespmem:$0x10600] =	vst v63  }
0xc7: {  	s15 =	sadd.s32 s4, s9;
	s16 =	sand.u32 $0x1FFFFFF0, s11;
	s18 =	spop (v2sf)  }
0xc8: {  	[tilespmem:s10], [sflag:$0x1] =	stream.linear.gather [hbm4b:s15+s14], $0x80, $0x38;
	[tilespmem:$0x10600] =	vst v63  }
0xc9: {  	s19 =	sadd.s32 s8, s16;
	s20 =	sand.u32 $0x1FFFFFF0, s18;
	s21 =	spop (v2sf)  }
0xca: {  	[tilespmem:s25], [sflag:$0x1] =	stream.linear.gather [hbm4b:s19+s14], $0x80, $0x38;
	[tilespmem:$0x10600] =	vst v63  }
0xcb: {  	s22 =	sadd.s32 s4, s20;
	s23 =	sand.u32 $0x1FFFFFF0, s21;
	s25 =	spop (v2sf)  }
0xcc: {  	[tilespmem:s24], [sflag:$0x1] =	stream.linear.gather [hbm4b:s22+s14], $0x80, $0x38;
	[tilespmem:$0x10600] =	vst v63  }
0xcd: {  	s26 =	sadd.s32 $0xB80, s17;
	s1 =	sadd.s32 s8, s23;
	s2 =	sand.u32 $0x1FFFFFF0, s25  }
0xce: {  	[tilespmem:s26], [sflag:$0x1] =	stream.linear.gather [hbm4b:s1+s14], $0x80, $0x38;
	[tilespmem:$0x10600] =	vst v63  }
0xcf: {  	s30 =	simm.s32 $0x1;
	s17 =	simm.s32 $0x0;
	s29 =	sadd.s32 s4, s2  }
0xd0: {  	v1 =	vmov s17;
	[tilespmem:s28], [sflag:$0x1] =	stream.linear.gather [hbm4b:s29+s14], $0x80, $0x38;
	[tilespmem:$0x10600] =	vst v63  }
0xd1: {  	v1 =	vshll.u32 v1, $0x7;
	_ =	swait.ge [sflag:s30], $0x8000  }
0xd2: {  	v1 =	vor.u32 v0, v1;
	[sflag:s30] =	ssyncset.done $0x0  }
0xd3: {  	[sflag:s30] =	ssyncadd.s32 $0xFFFF8000  }
0xd4: {  	v2 =	vor.u32 $0x1, v1;
	_ =	swait.ge [sflag:s30], $0x8000  }
0xd5: {  	[sflag:s30] =	ssyncset.done $0x0  }
0xd6: {  	s3 =	simm.s32 $0x8400;
	v3 =	vor.u32 $0x2, v1;
	[sflag:s30] =	ssyncadd.s32 $0xFFFF8000  }
0xd7: {  	s2 =	simm.s32 $0x400;
	v4 =	vld.idx.msk [tilespmem:v1+s3+$0x0], $0xffff  }
0xd8: {  	v6 =	vor.u32 $0x3, v1;
	v5 =	vld.idx.msk [tilespmem:v1+s2+$0x0], $0xffff  }
0xd9: {  	v7 =	vld.idx.msk [tilespmem:v2+s2+$0x0], $0xffff  }
0xda: {  	v8 =	vor.u32 $0x4, v1;
	v2 =	vld.idx.msk [tilespmem:v2+s3+$0x0], $0xffff  }
0xdb: {  	v9 =	vld.idx.msk [tilespmem:v3+s2+$0x0], $0xffff  }
0xdc: {  	v10 =	vor.u32 $0x5, v1;
	v3 =	vld.idx.msk [tilespmem:v3+s3+$0x0], $0xffff  }
0xdd: {  	v11 =	vld.idx.msk [tilespmem:v6+s2+$0x0], $0xffff  }
0xde: {  	v12 =	vor.u32 $0x6, v1;
	v6 =	vld.idx.msk [tilespmem:v6+s3+$0x0], $0xffff  }
0xdf: {  	v13 =	vld.idx.msk [tilespmem:v8+s2+$0x0], $0xffff;
	v4 =	vmul.f32 v4, v5;
	v2 =	vmul.f32 v2, v7  }
0xe0: {  	v35 =	vor.u32 $0x7, v1;
	v34 =	vld.idx.msk [tilespmem:v8+s3+$0x0], $0xffff  }
0xe1: {  	v36 =	vld.idx.msk [tilespmem:v10+s2+$0x0], $0xffff;
	v3 =	vmul.f32 v3, v9;
	v2 =	vadd.f32 v2, v4  }
0xe2: {  	v38 =	vor.u32 $0x8, v1;
	v37 =	vld.idx.msk [tilespmem:v10+s3+$0x0], $0xffff  }
0xe3: {  	v39 =	vld.idx.msk [tilespmem:v12+s2+$0x0], $0xffff;
	v2 =	vadd.f32 v3, v2;
	v3 =	vmul.f32 v6, v11  }
0xe4: {  	v41 =	vor.u32 $0x9, v1;
	v40 =	vld.idx.msk [tilespmem:v12+s3+$0x0], $0xffff  }
0xe5: {  	v42 =	vld.idx.msk [tilespmem:v35+s2+$0x0], $0xffff;
	v2 =	vadd.f32 v3, v2;
	v3 =	vmul.f32 v34, v13  }
0xe6: {  	v44 =	vor.u32 $0xA, v1;
	v43 =	vld.idx.msk [tilespmem:v35+s3+$0x0], $0xffff  }
0xe7: {  	v45 =	vld.idx.msk [tilespmem:v38+s2+$0x0], $0xffff;
	v2 =	vadd.f32 v3, v2;
	v3 =	vmul.f32 v37, v36  }
0xe8: {  	v47 =	vor.u32 $0xB, v1;
	v46 =	vld.idx.msk [tilespmem:v38+s3+$0x0], $0xffff  }
0xe9: {  	v48 =	vld.idx.msk [tilespmem:v41+s2+$0x0], $0xffff;
	v2 =	vadd.f32 v3, v2;
	v3 =	vmul.f32 v40, v39  }
0xea: {  	v50 =	vor.u32 $0xC, v1;
	v49 =	vld.idx.msk [tilespmem:v41+s3+$0x0], $0xffff  }
0xeb: {  	v51 =	vld.idx.msk [tilespmem:v44+s2+$0x0], $0xffff;
	v2 =	vadd.f32 v3, v2;
	v3 =	vmul.f32 v43, v42  }
0xec: {  	v53 =	vor.u32 $0xD, v1;
	v52 =	vld.idx.msk [tilespmem:v44+s3+$0x0], $0xffff  }
0xed: {  	v54 =	vld.idx.msk [tilespmem:v47+s2+$0x0], $0xffff;
	v2 =	vadd.f32 v3, v2;
	v3 =	vmul.f32 v46, v45  }
0xee: {  	v56 =	vor.u32 $0xE, v1;
	v55 =	vld.idx.msk [tilespmem:v47+s3+$0x0], $0xffff  }
0xef: {  	v57 =	vld.idx.msk [tilespmem:v50+s2+$0x0], $0xffff;
	v2 =	vadd.f32 v3, v2;
	v3 =	vmul.f32 v49, v48  }
0xf0: {  	v59 =	vor.u32 $0xF, v1;
	v58 =	vld.idx.msk [tilespmem:v50+s3+$0x0], $0xffff  }
0xf1: {  	v60 =	vld.idx.msk [tilespmem:v53+s2+$0x0], $0xffff;
	v2 =	vadd.f32 v3, v2;
	v3 =	vmul.f32 v52, v51  }
0xf2: {  	v62 =	vor.u32 $0x10, v1;
	v61 =	vld.idx.msk [tilespmem:v53+s3+$0x0], $0xffff  }
0xf3: {  	v63 =	vld.idx.msk [tilespmem:v56+s2+$0x0], $0xffff;
	v2 =	vadd.f32 v3, v2;
	v3 =	vmul.f32 v55, v54  }
0xf4: {  	v17 =	vor.u32 $0x11, v1;
	v16 =	vld.idx.msk [tilespmem:v56+s3+$0x0], $0xffff  }
0xf5: {  	v18 =	vld.idx.msk [tilespmem:v59+s2+$0x0], $0xffff;
	v2 =	vadd.f32 v3, v2;
	v3 =	vmul.f32 v58, v57  }
0xf6: {  	v20 =	vor.u32 $0x12, v1;
	v19 =	vld.idx.msk [tilespmem:v59+s3+$0x0], $0xffff  }
0xf7: {  	v21 =	vld.idx.msk [tilespmem:v62+s2+$0x0], $0xffff;
	v2 =	vadd.f32 v3, v2;
	v3 =	vmul.f32 v61, v60  }
0xf8: {  	v23 =	vor.u32 $0x13, v1;
	v22 =	vld.idx.msk [tilespmem:v62+s3+$0x0], $0xffff  }
0xf9: {  	v24 =	vld.idx.msk [tilespmem:v17+s2+$0x0], $0xffff;
	v2 =	vadd.f32 v3, v2;
	v3 =	vmul.f32 v16, v63  }
0xfa: {  	v26 =	vor.u32 $0x14, v1;
	v25 =	vld.idx.msk [tilespmem:v17+s3+$0x0], $0xffff  }
0xfb: {  	v27 =	vld.idx.msk [tilespmem:v20+s2+$0x0], $0xffff;
	v2 =	vadd.f32 v3, v2;
	v3 =	vmul.f32 v19, v18  }
0xfc: {  	v29 =	vor.u32 $0x15, v1;
	v28 =	vld.idx.msk [tilespmem:v20+s3+$0x0], $0xffff  }
0xfd: {  	v30 =	vld.idx.msk [tilespmem:v23+s2+$0x0], $0xffff;
	v2 =	vadd.f32 v3, v2;
	v3 =	vmul.f32 v22, v21  }
0xfe: {  	v32 =	vor.u32 $0x16, v1;
	v31 =	vld.idx.msk [tilespmem:v23+s3+$0x0], $0xffff  }
0xff: {  	v33 =	vld.idx.msk [tilespmem:v26+s2+$0x0], $0xffff;
	v2 =	vadd.f32 v3, v2;
	v3 =	vmul.f32 v25, v24  }
0x100: {  	v35 =	vor.u32 $0x17, v1;
	v34 =	vld.idx.msk [tilespmem:v26+s3+$0x0], $0xffff  }
0x101: {  	v36 =	vld.idx.msk [tilespmem:v29+s2+$0x0], $0xffff;
	v2 =	vadd.f32 v3, v2;
	v3 =	vmul.f32 v28, v27  }
0x102: {  	v38 =	vor.u32 $0x18, v1;
	v37 =	vld.idx.msk [tilespmem:v29+s3+$0x0], $0xffff  }
0x103: {  	v39 =	vld.idx.msk [tilespmem:v32+s2+$0x0], $0xffff;
	v2 =	vadd.f32 v3, v2;
	v3 =	vmul.f32 v31, v30  }
0x104: {  	v41 =	vor.u32 $0x19, v1;
	v40 =	vld.idx.msk [tilespmem:v32+s3+$0x0], $0xffff  }
0x105: {  	v42 =	vld.idx.msk [tilespmem:v35+s2+$0x0], $0xffff;
	v2 =	vadd.f32 v3, v2;
	v3 =	vmul.f32 v34, v33  }
0x106: {  	v44 =	vor.u32 $0x1A, v1;
	v43 =	vld.idx.msk [tilespmem:v35+s3+$0x0], $0xffff  }
0x107: {  	v45 =	vld.idx.msk [tilespmem:v38+s2+$0x0], $0xffff;
	v2 =	vadd.f32 v3, v2;
	v3 =	vmul.f32 v37, v36  }
0x108: {  	v47 =	vor.u32 $0x1B, v1;
	v46 =	vld.idx.msk [tilespmem:v38+s3+$0x0], $0xffff  }
0x109: {  	v48 =	vld.idx.msk [tilespmem:v41+s2+$0x0], $0xffff;
	v2 =	vadd.f32 v3, v2;
	v3 =	vmul.f32 v40, v39  }
0x10a: {  	v50 =	vor.u32 $0x1C, v1;
	v49 =	vld.idx.msk [tilespmem:v41+s3+$0x0], $0xffff  }
0x10b: {  	v51 =	vld.idx.msk [tilespmem:v44+s2+$0x0], $0xffff;
	v2 =	vadd.f32 v3, v2;
	v3 =	vmul.f32 v43, v42  }
0x10c: {  	v53 =	vor.u32 $0x1D, v1;
	v52 =	vld.idx.msk [tilespmem:v44+s3+$0x0], $0xffff  }
0x10d: {  	v54 =	vld.idx.msk [tilespmem:v47+s2+$0x0], $0xffff;
	v2 =	vadd.f32 v3, v2;
	v3 =	vmul.f32 v46, v45  }
0x10e: {  	v56 =	vor.u32 $0x1E, v1;
	v55 =	vld.idx.msk [tilespmem:v47+s3+$0x0], $0xffff  }
0x10f: {  	v57 =	vld.idx.msk [tilespmem:v50+s2+$0x0], $0xffff;
	v2 =	vadd.f32 v3, v2;
	v3 =	vmul.f32 v49, v48  }
0x110: {  	v1 =	vor.u32 $0x1F, v1;
	v58 =	vld.idx.msk [tilespmem:v50+s3+$0x0], $0xffff  }
0x111: {  	v59 =	vld.idx.msk [tilespmem:v53+s2+$0x0], $0xffff;
	v2 =	vadd.f32 v3, v2;
	v3 =	vmul.f32 v52, v51  }
0x112: {  	v60 =	vld.idx.msk [tilespmem:v53+s3+$0x0], $0xffff  }
0x113: {  	v62 =	vld.idx.msk [tilespmem:v56+s3+$0x0], $0xffff;
	v2 =	vadd.f32 v3, v2;
	v3 =	vmul.f32 v55, v54  }
0x114: {  	v61 =	vld.idx.msk [tilespmem:v56+s2+$0x0], $0xffff  }
0x115: {  	v63 =	vld.idx.msk [tilespmem:v1+s2+$0x0], $0xffff;
	v2 =	vadd.f32 v3, v2;
	v3 =	vmul.f32 v58, v57  }
0x116: {  	v1 =	vld.idx.msk [tilespmem:v1+s3+$0x0], $0xffff  }
0x117: {  	v2 =	vadd.f32 v3, v2;
	v3 =	vmul.f32 v60, v59;
	_ =	sdelay $0x1  }
0x118: {  	v2 =	vadd.f32 v3, v2;
	v3 =	vmul.f32 v62, v61;
	_ =	sdelay $0x1  }
0x119: {  	v1 =	vmul.f32 v1, v63;
	v2 =	vadd.f32 v3, v2;
	_ =	sdelay $0x1  }
0x11a: {  	v1 =	vadd.f32 v1, v2;
	_ =	sdelay $0x1  }
0x11b: {  	v1 =	vsub.f32 $0.0e+00, v1;
	_ =	sdelay $0x1  }
0x11c: {  	v1 =	vmul.f32 $1.442695020e+00, v1;
	_ =	sdelay $0x1  }
0x11d: {  	(erf) = vpow2.f32 v1;
	_ =	sdelay $0x8  }
0x11e: {  	v1 =	vpop (erf)  }
0x11f: {  	v1 =	vadd.f32 $1.000000000e+00, v1;
	_ =	sdelay $0x1  }
0x120: {  	(erf) = vrcp.f32 v1;
	_ =	sdelay $0x2  }
0x121: {  	s18 =	simm.s32 $0x10  }
0x122: {  	v2 =	vmov s18  }
0x123: {  	s31 =	rddreg [dreg:$0x13];
	v2 =	vshll.u32 v2, $0x7  }
0x124: {  	s19 =	simm.s32 $0x20;
	s16 =	sadd.s32 $0x10400, s31;
	v1 =	vor.u32 v0, v2  }
.LBB2_5:
0x125: {  	p1 =	sne.s32 s19, $0xF0;
	s0 =	sand.u32 $0x80, s17  }
0x126: {  	v2 =	vor.u32 $0x1, v1;
	s1 =	sand.u32 $0x70, s17;
	s17 =	smov.u32 s18;
	s0 =	sadd.s32 s0, s16  }
0x127: {  	s18 =	smov.u32 s19;
	s0 =	sadd.s32 s1, s0;
	v3 =	vpop (erf)  }
0x128: {  	v4 =	vor.u32 $0x2, v1;
	[tilespmem:s0+$0x0] =	vst v3  }
0x129: {  	v3 =	vld.idx.msk [tilespmem:v1+s3+$0x0], $0xffff  }
0x12a: {  	v6 =	vor.u32 $0x3, v1;
	v5 =	vld.idx.msk [tilespmem:v1+s2+$0x0], $0xffff  }
0x12b: {  	v7 =	vld.idx.msk [tilespmem:v2+s2+$0x0], $0xffff  }
0x12c: {  	v8 =	vor.u32 $0x4, v1;
	v2 =	vld.idx.msk [tilespmem:v2+s3+$0x0], $0xffff  }
0x12d: {  	v9 =	vld.idx.msk [tilespmem:v4+s2+$0x0], $0xffff  }
0x12e: {  	v10 =	vor.u32 $0x5, v1;
	v4 =	vld.idx.msk [tilespmem:v4+s3+$0x0], $0xffff  }
0x12f: {  	v11 =	vld.idx.msk [tilespmem:v6+s2+$0x0], $0xffff  }
0x130: {  	v12 =	vor.u32 $0x6, v1;
	v6 =	vld.idx.msk [tilespmem:v6+s3+$0x0], $0xffff  }
0x131: {  	v13 =	vld.idx.msk [tilespmem:v8+s2+$0x0], $0xffff  }
0x132: {  	v3 =	vmul.f32 v3, v5;
	v2 =	vmul.f32 v2, v7;
	v7 =	vor.u32 $0x7, v1;
	v5 =	vld.idx.msk [tilespmem:v8+s3+$0x0], $0xffff  }
0x133: {  	v8 =	vld.idx.msk [tilespmem:v10+s2+$0x0], $0xffff  }
0x134: {  	v2 =	vadd.f32 v2, v3;
	v3 =	vmul.f32 v4, v9;
	v9 =	vor.u32 $0x8, v1;
	v4 =	vld.idx.msk [tilespmem:v10+s3+$0x0], $0xffff  }
0x135: {  	v10 =	vld.idx.msk [tilespmem:v12+s2+$0x0], $0xffff  }
0x136: {  	v2 =	vadd.f32 v3, v2;
	v3 =	vmul.f32 v6, v11;
	v11 =	vor.u32 $0x9, v1;
	v6 =	vld.idx.msk [tilespmem:v12+s3+$0x0], $0xffff  }
0x137: {  	v12 =	vld.idx.msk [tilespmem:v7+s2+$0x0], $0xffff  }
0x138: {  	v2 =	vadd.f32 v3, v2;
	v3 =	vmul.f32 v5, v13;
	v5 =	vld.idx.msk [tilespmem:v7+s3+$0x0], $0xffff;
	v7 =	vor.u32 $0xA, v1  }
0x139: {  	v13 =	vld.idx.msk [tilespmem:v9+s2+$0x0], $0xffff  }
0x13a: {  	v2 =	vadd.f32 v3, v2;
	v3 =	vmul.f32 v4, v8;
	v8 =	vor.u32 $0xB, v1;
	v4 =	vld.idx.msk [tilespmem:v9+s3+$0x0], $0xffff  }
0x13b: {  	v9 =	vld.idx.msk [tilespmem:v11+s2+$0x0], $0xffff  }
0x13c: {  	v2 =	vadd.f32 v3, v2;
	v3 =	vmul.f32 v6, v10;
	v10 =	vor.u32 $0xC, v1;
	v6 =	vld.idx.msk [tilespmem:v11+s3+$0x0], $0xffff  }
0x13d: {  	v11 =	vld.idx.msk [tilespmem:v7+s2+$0x0], $0xffff  }
0x13e: {  	v2 =	vadd.f32 v3, v2;
	v3 =	vmul.f32 v5, v12;
	v5 =	vld.idx.msk [tilespmem:v7+s3+$0x0], $0xffff;
	v7 =	vor.u32 $0xD, v1  }
0x13f: {  	v12 =	vld.idx.msk [tilespmem:v8+s2+$0x0], $0xffff  }
0x140: {  	v2 =	vadd.f32 v3, v2;
	v3 =	vmul.f32 v4, v13;
	v4 =	vld.idx.msk [tilespmem:v8+s3+$0x0], $0xffff;
	v8 =	vor.u32 $0xE, v1  }
0x141: {  	v13 =	vld.idx.msk [tilespmem:v10+s2+$0x0], $0xffff  }
0x142: {  	v2 =	vadd.f32 v3, v2;
	v3 =	vmul.f32 v6, v9;
	v9 =	vor.u32 $0xF, v1;
	v6 =	vld.idx.msk [tilespmem:v10+s3+$0x0], $0xffff  }
0x143: {  	v10 =	vld.idx.msk [tilespmem:v7+s2+$0x0], $0xffff  }
0x144: {  	v2 =	vadd.f32 v3, v2;
	v3 =	vmul.f32 v5, v11;
	v5 =	vld.idx.msk [tilespmem:v7+s3+$0x0], $0xffff;
	v7 =	vor.u32 $0x10, v1  }
0x145: {  	v11 =	vld.idx.msk [tilespmem:v8+s2+$0x0], $0xffff  }
0x146: {  	v2 =	vadd.f32 v3, v2;
	v3 =	vmul.f32 v4, v12;
	v4 =	vld.idx.msk [tilespmem:v8+s3+$0x0], $0xffff;
	v8 =	vor.u32 $0x11, v1  }
0x147: {  	v12 =	vld.idx.msk [tilespmem:v9+s2+$0x0], $0xffff  }
0x148: {  	v2 =	vadd.f32 v3, v2;
	v3 =	vmul.f32 v6, v13;
	v6 =	vld.idx.msk [tilespmem:v9+s3+$0x0], $0xffff;
	v9 =	vor.u32 $0x12, v1  }
0x149: {  	v13 =	vld.idx.msk [tilespmem:v7+s2+$0x0], $0xffff  }
0x14a: {  	v2 =	vadd.f32 v3, v2;
	v3 =	vmul.f32 v5, v10;
	v5 =	vld.idx.msk [tilespmem:v7+s3+$0x0], $0xffff;
	v7 =	vor.u32 $0x13, v1  }
0x14b: {  	v10 =	vld.idx.msk [tilespmem:v8+s2+$0x0], $0xffff  }
0x14c: {  	v2 =	vadd.f32 v3, v2;
	v3 =	vmul.f32 v4, v11;
	v4 =	vld.idx.msk [tilespmem:v8+s3+$0x0], $0xffff;
	v8 =	vor.u32 $0x14, v1  }
0x14d: {  	v11 =	vld.idx.msk [tilespmem:v9+s2+$0x0], $0xffff  }
0x14e: {  	v2 =	vadd.f32 v3, v2;
	v3 =	vmul.f32 v6, v12;
	v6 =	vld.idx.msk [tilespmem:v9+s3+$0x0], $0xffff;
	v9 =	vor.u32 $0x15, v1  }
0x14f: {  	v12 =	vld.idx.msk [tilespmem:v7+s2+$0x0], $0xffff  }
0x150: {  	v2 =	vadd.f32 v3, v2;
	v3 =	vmul.f32 v5, v13;
	v5 =	vld.idx.msk [tilespmem:v7+s3+$0x0], $0xffff;
	v7 =	vor.u32 $0x16, v1  }
0x151: {  	v13 =	vld.idx.msk [tilespmem:v8+s2+$0x0], $0xffff  }
0x152: {  	v2 =	vadd.f32 v3, v2;
	v3 =	vmul.f32 v4, v10;
	v4 =	vld.idx.msk [tilespmem:v8+s3+$0x0], $0xffff;
	v8 =	vor.u32 $0x17, v1  }
0x153: {  	v10 =	vld.idx.msk [tilespmem:v9+s2+$0x0], $0xffff  }
0x154: {  	v2 =	vadd.f32 v3, v2;
	v3 =	vmul.f32 v6, v11;
	v6 =	vld.idx.msk [tilespmem:v9+s3+$0x0], $0xffff;
	v9 =	vor.u32 $0x18, v1  }
0x155: {  	v11 =	vld.idx.msk [tilespmem:v7+s2+$0x0], $0xffff  }
0x156: {  	v2 =	vadd.f32 v3, v2;
	v3 =	vmul.f32 v5, v12;
	v5 =	vld.idx.msk [tilespmem:v7+s3+$0x0], $0xffff;
	v7 =	vor.u32 $0x19, v1  }
0x157: {  	v12 =	vld.idx.msk [tilespmem:v8+s2+$0x0], $0xffff  }
0x158: {  	v2 =	vadd.f32 v3, v2;
	v3 =	vmul.f32 v4, v13;
	v4 =	vld.idx.msk [tilespmem:v8+s3+$0x0], $0xffff;
	v8 =	vor.u32 $0x1A, v1  }
0x159: {  	v13 =	vld.idx.msk [tilespmem:v9+s2+$0x0], $0xffff  }
0x15a: {  	v2 =	vadd.f32 v3, v2;
	v3 =	vmul.f32 v6, v10;
	v6 =	vld.idx.msk [tilespmem:v9+s3+$0x0], $0xffff;
	v9 =	vor.u32 $0x1B, v1  }
0x15b: {  	v10 =	vld.idx.msk [tilespmem:v7+s2+$0x0], $0xffff  }
0x15c: {  	v2 =	vadd.f32 v3, v2;
	v3 =	vmul.f32 v5, v11;
	v5 =	vld.idx.msk [tilespmem:v7+s3+$0x0], $0xffff;
	v7 =	vor.u32 $0x1C, v1  }
0x15d: {  	v11 =	vld.idx.msk [tilespmem:v8+s2+$0x0], $0xffff  }
0x15e: {  	v2 =	vadd.f32 v3, v2;
	v3 =	vmul.f32 v4, v12;
	v4 =	vld.idx.msk [tilespmem:v8+s3+$0x0], $0xffff;
	v8 =	vor.u32 $0x1D, v1  }
0x15f: {  	v12 =	vld.idx.msk [tilespmem:v9+s2+$0x0], $0xffff  }
0x160: {  	v2 =	vadd.f32 v3, v2;
	v3 =	vmul.f32 v6, v13;
	v6 =	vld.idx.msk [tilespmem:v9+s3+$0x0], $0xffff;
	v9 =	vor.u32 $0x1E, v1  }
0x161: {  	v13 =	vld.idx.msk [tilespmem:v7+s2+$0x0], $0xffff  }
0x162: {  	v1 =	vor.u32 $0x1F, v1;
	v2 =	vadd.f32 v3, v2;
	v3 =	vmul.f32 v5, v10;
	v5 =	vld.idx.msk [tilespmem:v7+s3+$0x0], $0xffff  }
0x163: {  	v7 =	vld.idx.msk [tilespmem:v8+s2+$0x0], $0xffff  }
0x164: {  	v2 =	vadd.f32 v3, v2;
	v3 =	vmul.f32 v4, v11;
	v4 =	vld.idx.msk [tilespmem:v8+s3+$0x0], $0xffff  }
0x165: {  	v8 =	vld.idx.msk [tilespmem:v9+s2+$0x0], $0xffff  }
0x166: {  	v2 =	vadd.f32 v3, v2;
	v3 =	vmul.f32 v6, v12;
	v6 =	vld.idx.msk [tilespmem:v9+s3+$0x0], $0xffff  }
0x167: {  	v9 =	vld.idx.msk [tilespmem:v1+s2+$0x0], $0xffff  }
0x168: {  	v2 =	vadd.f32 v3, v2;
	v3 =	vmul.f32 v5, v13;
	v1 =	vld.idx.msk [tilespmem:v1+s3+$0x0], $0xffff;
	_ =	sdelay $0x1  }
0x169: {  	v2 =	vadd.f32 v3, v2;
	v3 =	vmul.f32 v4, v7;
	_ =	sdelay $0x1  }
0x16a: {  	v2 =	vadd.f32 v3, v2;
	v3 =	vmul.f32 v6, v8;
	_ =	sdelay $0x1  }
0x16b: {  	v2 =	vadd.f32 v3, v2;
	v1 =	vmul.f32 v1, v9;
	_ =	sdelay $0x1  }
0x16c: {  	v1 =	vadd.f32 v1, v2;
	_ =	sdelay $0x1  }
0x16d: {  	v1 =	vsub.f32 $0.0e+00, v1;
	_ =	sdelay $0x1  }
0x16e: {  	v1 =	vmul.f32 $1.442695020e+00, v1;
	_ =	sdelay $0x1  }
0x16f: {  	(erf) = vpow2.f32 v1;
	_ =	sdelay $0x8  }
0x170: {  	v1 =	vpop (erf)  }
0x171: {  	v1 =	vadd.f32 $1.000000000e+00, v1;
	_ =	sdelay $0x1  }
0x172: {  	(erf) = vrcp.f32 v1;
	_ =	sdelay $0x1  }
.Ltmp1:
0x173: {  	(pc) =	sbr.rel @p1 .LBB2_5-.Ltmp1, $4  }
0x174: {  	_ = 	snop  }
0x175: {  	v1 =	vmov s19  }
0x176: {  	v1 =	vshll.u32 v1, $0x7  }
0x177: {  	s19 =	sadd.s32 $0x10, s19;
	v1 =	vor.u32 v0, v1  }
0x178: {  	s0 =	sand.u32 $0x80, s17  }
0x179: {  	v2 =	vor.u32 $0x1, v1;
	s1 =	sand.u32 $0x70, s17;
	s0 =	sadd.s32 s0, s16  }
0x17a: {  	s0 =	sadd.s32 s1, s0;
	v3 =	vpop (erf)  }
0x17b: {  	v4 =	vor.u32 $0x2, v1;
	[tilespmem:s0+$0x0] =	vst v3  }
0x17c: {  	v3 =	vld.idx.msk [tilespmem:v1+s3+$0x0], $0xffff  }
0x17d: {  	v6 =	vor.u32 $0x3, v1;
	v5 =	vld.idx.msk [tilespmem:v1+s2+$0x0], $0xffff  }
0x17e: {  	v7 =	vld.idx.msk [tilespmem:v2+s2+$0x0], $0xffff  }
0x17f: {  	v8 =	vor.u32 $0x4, v1;
	v2 =	vld.idx.msk [tilespmem:v2+s3+$0x0], $0xffff  }
0x180: {  	v9 =	vld.idx.msk [tilespmem:v4+s2+$0x0], $0xffff  }
0x181: {  	v10 =	vor.u32 $0x5, v1;
	v4 =	vld.idx.msk [tilespmem:v4+s3+$0x0], $0xffff  }
0x182: {  	v11 =	vld.idx.msk [tilespmem:v6+s2+$0x0], $0xffff  }
0x183: {  	v12 =	vor.u32 $0x6, v1;
	v6 =	vld.idx.msk [tilespmem:v6+s3+$0x0], $0xffff  }
0x184: {  	v13 =	vld.idx.msk [tilespmem:v8+s2+$0x0], $0xffff;
	v3 =	vmul.f32 v3, v5;
	v2 =	vmul.f32 v2, v7  }
0x185: {  	v35 =	vor.u32 $0x7, v1;
	v34 =	vld.idx.msk [tilespmem:v8+s3+$0x0], $0xffff  }
0x186: {  	v36 =	vld.idx.msk [tilespmem:v10+s2+$0x0], $0xffff;
	v2 =	vadd.f32 v2, v3;
	v3 =	vmul.f32 v4, v9  }
0x187: {  	v38 =	vor.u32 $0x8, v1;
	v37 =	vld.idx.msk [tilespmem:v10+s3+$0x0], $0xffff  }
0x188: {  	v39 =	vld.idx.msk [tilespmem:v12+s2+$0x0], $0xffff;
	v2 =	vadd.f32 v3, v2;
	v3 =	vmul.f32 v6, v11  }
0x189: {  	v41 =	vor.u32 $0x9, v1;
	v40 =	vld.idx.msk [tilespmem:v12+s3+$0x0], $0xffff  }
0x18a: {  	v42 =	vld.idx.msk [tilespmem:v35+s2+$0x0], $0xffff;
	v2 =	vadd.f32 v3, v2;
	v3 =	vmul.f32 v34, v13  }
0x18b: {  	v44 =	vor.u32 $0xA, v1;
	v43 =	vld.idx.msk [tilespmem:v35+s3+$0x0], $0xffff  }
0x18c: {  	v45 =	vld.idx.msk [tilespmem:v38+s2+$0x0], $0xffff;
	v2 =	vadd.f32 v3, v2;
	v3 =	vmul.f32 v37, v36  }
0x18d: {  	v47 =	vor.u32 $0xB, v1;
	v46 =	vld.idx.msk [tilespmem:v38+s3+$0x0], $0xffff  }
0x18e: {  	v48 =	vld.idx.msk [tilespmem:v41+s2+$0x0], $0xffff;
	v2 =	vadd.f32 v3, v2;
	v3 =	vmul.f32 v40, v39  }
0x18f: {  	v50 =	vor.u32 $0xC, v1;
	v49 =	vld.idx.msk [tilespmem:v41+s3+$0x0], $0xffff  }
0x190: {  	v51 =	vld.idx.msk [tilespmem:v44+s2+$0x0], $0xffff;
	v2 =	vadd.f32 v3, v2;
	v3 =	vmul.f32 v43, v42  }
0x191: {  	v53 =	vor.u32 $0xD, v1;
	v52 =	vld.idx.msk [tilespmem:v44+s3+$0x0], $0xffff  }
0x192: {  	v54 =	vld.idx.msk [tilespmem:v47+s2+$0x0], $0xffff;
	v2 =	vadd.f32 v3, v2;
	v3 =	vmul.f32 v46, v45  }
0x193: {  	v56 =	vor.u32 $0xE, v1;
	v55 =	vld.idx.msk [tilespmem:v47+s3+$0x0], $0xffff  }
0x194: {  	v57 =	vld.idx.msk [tilespmem:v50+s2+$0x0], $0xffff;
	v2 =	vadd.f32 v3, v2;
	v3 =	vmul.f32 v49, v48  }
0x195: {  	v59 =	vor.u32 $0xF, v1;
	v58 =	vld.idx.msk [tilespmem:v50+s3+$0x0], $0xffff  }
0x196: {  	v60 =	vld.idx.msk [tilespmem:v53+s2+$0x0], $0xffff;
	v2 =	vadd.f32 v3, v2;
	v3 =	vmul.f32 v52, v51  }
0x197: {  	v62 =	vor.u32 $0x10, v1;
	v61 =	vld.idx.msk [tilespmem:v53+s3+$0x0], $0xffff  }
0x198: {  	v63 =	vld.idx.msk [tilespmem:v56+s2+$0x0], $0xffff;
	v2 =	vadd.f32 v3, v2;
	v3 =	vmul.f32 v55, v54  }
0x199: {  	v17 =	vor.u32 $0x11, v1;
	v16 =	vld.idx.msk [tilespmem:v56+s3+$0x0], $0xffff  }
0x19a: {  	v18 =	vld.idx.msk [tilespmem:v59+s2+$0x0], $0xffff;
	v2 =	vadd.f32 v3, v2;
	v3 =	vmul.f32 v58, v57  }
0x19b: {  	v20 =	vor.u32 $0x12, v1;
	v19 =	vld.idx.msk [tilespmem:v59+s3+$0x0], $0xffff  }
0x19c: {  	v21 =	vld.idx.msk [tilespmem:v62+s2+$0x0], $0xffff;
	v2 =	vadd.f32 v3, v2;
	v3 =	vmul.f32 v61, v60  }
0x19d: {  	v23 =	vor.u32 $0x13, v1;
	v22 =	vld.idx.msk [tilespmem:v62+s3+$0x0], $0xffff  }
0x19e: {  	v24 =	vld.idx.msk [tilespmem:v17+s2+$0x0], $0xffff;
	v2 =	vadd.f32 v3, v2;
	v3 =	vmul.f32 v16, v63  }
0x19f: {  	v26 =	vor.u32 $0x14, v1;
	v25 =	vld.idx.msk [tilespmem:v17+s3+$0x0], $0xffff  }
0x1a0: {  	v27 =	vld.idx.msk [tilespmem:v20+s2+$0x0], $0xffff;
	v2 =	vadd.f32 v3, v2;
	v3 =	vmul.f32 v19, v18  }
0x1a1: {  	v29 =	vor.u32 $0x15, v1;
	v28 =	vld.idx.msk [tilespmem:v20+s3+$0x0], $0xffff  }
0x1a2: {  	v30 =	vld.idx.msk [tilespmem:v23+s2+$0x0], $0xffff;
	v2 =	vadd.f32 v3, v2;
	v3 =	vmul.f32 v22, v21  }
0x1a3: {  	v32 =	vor.u32 $0x16, v1;
	v31 =	vld.idx.msk [tilespmem:v23+s3+$0x0], $0xffff  }
0x1a4: {  	v33 =	vld.idx.msk [tilespmem:v26+s2+$0x0], $0xffff;
	v2 =	vadd.f32 v3, v2;
	v3 =	vmul.f32 v25, v24  }
0x1a5: {  	v35 =	vor.u32 $0x17, v1;
	v34 =	vld.idx.msk [tilespmem:v26+s3+$0x0], $0xffff  }
0x1a6: {  	v36 =	vld.idx.msk [tilespmem:v29+s2+$0x0], $0xffff;
	v2 =	vadd.f32 v3, v2;
	v3 =	vmul.f32 v28, v27  }
0x1a7: {  	v38 =	vor.u32 $0x18, v1;
	v37 =	vld.idx.msk [tilespmem:v29+s3+$0x0], $0xffff  }
0x1a8: {  	v39 =	vld.idx.msk [tilespmem:v32+s2+$0x0], $0xffff;
	v2 =	vadd.f32 v3, v2;
	v3 =	vmul.f32 v31, v30  }
0x1a9: {  	v41 =	vor.u32 $0x19, v1;
	v40 =	vld.idx.msk [tilespmem:v32+s3+$0x0], $0xffff  }
0x1aa: {  	v42 =	vld.idx.msk [tilespmem:v35+s2+$0x0], $0xffff;
	v2 =	vadd.f32 v3, v2;
	v3 =	vmul.f32 v34, v33  }
0x1ab: {  	v44 =	vor.u32 $0x1A, v1;
	v43 =	vld.idx.msk [tilespmem:v35+s3+$0x0], $0xffff  }
0x1ac: {  	v45 =	vld.idx.msk [tilespmem:v38+s2+$0x0], $0xffff;
	v2 =	vadd.f32 v3, v2;
	v3 =	vmul.f32 v37, v36  }
0x1ad: {  	v47 =	vor.u32 $0x1B, v1;
	v46 =	vld.idx.msk [tilespmem:v38+s3+$0x0], $0xffff  }
0x1ae: {  	v48 =	vld.idx.msk [tilespmem:v41+s2+$0x0], $0xffff;
	v2 =	vadd.f32 v3, v2;
	v3 =	vmul.f32 v40, v39  }
0x1af: {  	v50 =	vor.u32 $0x1C, v1;
	v49 =	vld.idx.msk [tilespmem:v41+s3+$0x0], $0xffff  }
0x1b0: {  	v51 =	vld.idx.msk [tilespmem:v44+s2+$0x0], $0xffff;
	v2 =	vadd.f32 v3, v2;
	v3 =	vmul.f32 v43, v42  }
0x1b1: {  	v53 =	vor.u32 $0x1D, v1;
	v52 =	vld.idx.msk [tilespmem:v44+s3+$0x0], $0xffff  }
0x1b2: {  	v54 =	vld.idx.msk [tilespmem:v47+s2+$0x0], $0xffff;
	v2 =	vadd.f32 v3, v2;
	v3 =	vmul.f32 v46, v45  }
0x1b3: {  	v56 =	vor.u32 $0x1E, v1;
	v55 =	vld.idx.msk [tilespmem:v47+s3+$0x0], $0xffff  }
0x1b4: {  	v57 =	vld.idx.msk [tilespmem:v50+s2+$0x0], $0xffff;
	v2 =	vadd.f32 v3, v2;
	v3 =	vmul.f32 v49, v48  }
0x1b5: {  	v1 =	vor.u32 $0x1F, v1;
	v58 =	vld.idx.msk [tilespmem:v50+s3+$0x0], $0xffff  }
0x1b6: {  	v59 =	vld.idx.msk [tilespmem:v53+s2+$0x0], $0xffff;
	v2 =	vadd.f32 v3, v2;
	v3 =	vmul.f32 v52, v51  }
0x1b7: {  	v60 =	vld.idx.msk [tilespmem:v53+s3+$0x0], $0xffff  }
0x1b8: {  	v62 =	vld.idx.msk [tilespmem:v56+s3+$0x0], $0xffff;
	v2 =	vadd.f32 v3, v2;
	v3 =	vmul.f32 v55, v54  }
0x1b9: {  	v61 =	vld.idx.msk [tilespmem:v56+s2+$0x0], $0xffff  }
0x1ba: {  	v63 =	vld.idx.msk [tilespmem:v1+s2+$0x0], $0xffff;
	v2 =	vadd.f32 v3, v2;
	v3 =	vmul.f32 v58, v57  }
0x1bb: {  	v1 =	vld.idx.msk [tilespmem:v1+s3+$0x0], $0xffff  }
0x1bc: {  	v2 =	vadd.f32 v3, v2;
	v3 =	vmul.f32 v60, v59;
	_ =	sdelay $0x1  }
0x1bd: {  	v2 =	vadd.f32 v3, v2;
	v3 =	vmul.f32 v62, v61;
	_ =	sdelay $0x1  }
0x1be: {  	v1 =	vmul.f32 v1, v63;
	v2 =	vadd.f32 v3, v2;
	_ =	sdelay $0x1  }
0x1bf: {  	v1 =	vadd.f32 v1, v2;
	_ =	sdelay $0x1  }
0x1c0: {  	v1 =	vsub.f32 $0.0e+00, v1;
	_ =	sdelay $0x1  }
0x1c1: {  	v1 =	vmul.f32 $1.442695020e+00, v1;
	_ =	sdelay $0x1  }
0x1c2: {  	(erf) = vpow2.f32 v1;
	_ =	sdelay $0x8  }
0x1c3: {  	v1 =	vpop (erf)  }
0x1c4: {  	v1 =	vadd.f32 $1.000000000e+00, v1;
	_ =	sdelay $0x1  }
0x1c5: {  	(erf) = vrcp.f32 v1;
	_ =	sdelay $0x5  }
.Ltmp2:
0x1c6: {  	_ = 	snop;
	(pc) =	sbr.rel @p0 .LBB2_2-.Ltmp2, $4  }
0x1c7: {  	s30 =	sand.u32 $0x80, s18  }
0x1c8: {  	s31 =	sand.u32 $0x70, s18;
	s0 =	sadd.s32 s30, s16  }
0x1c9: {  	s0 =	sadd.s32 s31, s0;
	v1 =	vpop (erf)  }
0x1ca: {  	p1 =	por $0x0, $0x0;
	[tilespmem:s0+$0x0] =	vst v1;
	s0 =	simm.s32 $0x100  }
0x1cb: {  	s0 =	rddreg [dreg:$0x10];
	s1 =	simm.s32 $0x10400  }
0x1cc: {  	[hbm4b:s0+s14] =	stream.linear.scatter [tilespmem:s1], [sflag:$0x2], $0x200, $0x38;
	[tilespmem:$0x10600] =	vst v63  }
0x1cd: {  	s1 =	simm.s32 $0x2  }
0x1ce: {  	_ =	swait.ge [sflag:s1], $0x200  }
0x1cf: {  	s2 =	rddreg [dreg:$0x12]  }
0x1d0: {  	s31 =	rddreg [dreg:$0x11];
	s2 =	sadd.s32 $0x1, s2  }
0x1d1: {  	p0 =	sne.s32 s2, s31  }
.Ltmp3:
0x1d2: {  	_ = 	snop;
	(pc) =	sbr.rel @p0 .LBB2_1-.Ltmp3, $3  }
0x1d3: {  	_ =	sdelay $0x1  }
0x1d4: {  	[sflag:s1] =	ssyncset.done $0x0  }
0x1d5: {  	[sflag:s1] =	ssyncadd.s32 $0xFFFFFE00  }
0x1d6: {  	_ =	sfence.sel $0x180000  }
0x1d7: {  	[bflag:$0x0] =	sbarrier.arrive $0xFFFF  }
0x1d8: {  	_ =	strace $0x90000047  }
0x1d9: {  	s0 =	stileid.u32;
	[bflag:$0x2] =	sbarrier.arrive $0xFFFF  }
0x1da: {  	p0 =	sne.s32 s0, $0x0;
	s0 =	rddreg [dreg:$0x4]  }
0x1db: {  	s0 =	sadd.s32 @!p0 $0x100000, s0  }
0x1dc: {  	[sflag:s0] =	ssyncadd.tile.s32 @!p0 $0x1;
	_ =	shalt  }
.Lfunc_end2:
_tile_overlayer_lowered:
.L_overlay_start_2:
0x1dd: {  	(tag) =	ssettag $0x2  }
0x1de: {  	s0 =	rddreg [dreg:$0x0];
	s2 =	stileid.u32  }
0x1df: {  	s1 =	rddreg [dreg:$0x1];
	p0 =	sne.s32 s2, $0x0  }
0x1e0: {  	s3 =	rddreg [dreg:$0x2];
	[bflag:$0x3] =	sbarrier.arrive $0xFFFF;
	s2 =	simm.s32 @!p0 $0x1C02  }
0x1e1: {  	[timem:s3], [sflag:s2] =	dma.local @!p0 [hbm:s0], s1  }
0x1e2: {  	s0 =	simm.s32 @!p0 $0x2  }
0x1e3: {  	_ =	swait.ge @!p0 [sflag:s0], s1  }
0x1e4: {  	s1 =	ssub.s32 @!p0 $0x0, s1;
	[sflag:s0] =	ssyncset.done @!p0 $0x0  }
0x1e5: {  	[sflag:s0] =	ssyncadd.s32 @!p0 s1  }
0x1e6: {  	[bflag:$0x3] =	sbarrier.arrive $0xFFFF  }
0x1e7: {  	_ =	shalt  }

</sc_bundles>
